<compile_context>
chip_gen: v7x
topology: tpu7x:2x2x1
jax: 0.10.2.dev20260603
libtpu: 0.0.44.dev20260713+nightly
codegen_flags: <defaults>
</compile_context>

<pallas_src>
import functools

import jax
import jax.numpy as jnp
from jax import lax
from jax.experimental import pallas as pl
from jax.experimental.pallas import tpu as pltpu
from jax.experimental.pallas import tpu_sc as plsc

N_FRAMES = 4096
ROW = 64
TILES = 16
FPT = N_FRAMES // TILES
GROUPS = FPT // 16
TARGETS = (0, 409, 818, 1227, 1636, 2045, 2454, 2863, 3272, 3681)

_mesh = plsc.VectorSubcoreMesh(core_axis_name="c", subcore_axis_name="s",
                               num_cores=1)


@functools.partial(
    pl.kernel,
    mesh=_mesh,
    out_type=jax.ShapeDtypeStruct((len(TARGETS), ROW), jnp.float32),
    scratch_types=[
        pltpu.VMEM((FPT * ROW,), jnp.float32),
        pltpu.VMEM((FPT,), jnp.int32),
        pltpu.VMEM((16,), jnp.int32),
        pltpu.VMEM_SHARED((TILES, 16), jnp.int32),
        pltpu.VMEM((TILES, 16), jnp.int32),
        pltpu.VMEM((ROW,), jnp.float32),
        pltpu.SemaphoreType.DMA,
    ],
    compiler_params=pltpu.CompilerParams(needs_layout_passes=False,
                                         use_tc_tiling_on_sc=False),
)
def _sc_select(xr_hbm, out_hbm, xv, maskv, row16, shared, allc, bounce, sem):
    sid = lax.axis_index("s")
    base = sid * FPT
    iota = lax.iota(jnp.int32, 16)
    sidv = jnp.full((16,), sid, jnp.int32)
    zeros = jnp.zeros((16,), jnp.int32)

    chunk = pltpu.async_copy(xr_hbm.at[pl.ds(base * ROW, FPT * ROW)], xv, sem)

    for j, t in enumerate(TARGETS):
        @pl.when(sid == t // FPT)
        def _(t=t, j=j):
            pltpu.sync_copy(xr_hbm.at[pl.ds(t * ROW, ROW)], out_hbm.at[j])

    fzero = jnp.zeros((16,), jnp.float32)

    def sum_step(i, accs):
        off = i * 1024
        accs = list(accs)
        for k in range(0, 64, 8):
            for a in range(8):
                accs[a] = accs[a] + xv[pl.ds(off + (k + a) * 16, 16)]
        return tuple(accs)

    chunk.wait()
    accs = lax.fori_loop(0, FPT * ROW // 1024, sum_step, (fzero,) * 8)
    s = (((accs[0] + accs[1]) + (accs[2] + accs[3]))
         + ((accs[4] + accs[5]) + (accs[6] + accs[7])))
    bs = plsc.bitcast(s, jnp.int32)
    expo = lax.shift_right_logical(bs, 23) & 0xFF
    mant = bs & 0x7FFFFF
    flag = jnp.sum(jnp.where((expo == 255) & (mant != 0), 1, 0))

    row16[...] = jnp.full((16,), flag, jnp.int32)
    pltpu.sync_copy(row16, shared.at[sid])
    plsc.subcore_barrier()
    pltpu.sync_copy(shared, allc)
    anyv = lax.fori_loop(0, TILES, lambda w, a: a + allc[w], zeros)
    ga = jnp.sum(jnp.where(iota == 0, anyv, 0))

    @pl.when(ga != 0)
    def _():
        def mask_frame(l, mrow, g):
            off = (g * 16 + l) * ROW
            s4 = (xv[pl.ds(off, 16)] + xv[pl.ds(off + 16, 16)]
                  + xv[pl.ds(off + 32, 16)] + xv[pl.ds(off + 48, 16)])
            b4 = plsc.bitcast(s4, jnp.int32)
            e4 = lax.shift_right_logical(b4, 23) & 0xFF
            m4 = b4 & 0x7FFFFF
            nf = jnp.sum(jnp.where((e4 == 255) & (m4 != 0), 1, 0))
            return mrow + jnp.where(iota == l, jnp.minimum(nf, 1), 0)

        def mask_group(g, nan_tot):
            mrow = lax.fori_loop(0, 16, lambda l, m: mask_frame(l, m, g),
                                 zeros)
            maskv[pl.ds(g * 16, 16)] = mrow
            return nan_tot + mrow

        nan_tot = lax.fori_loop(0, GROUPS, mask_group, zeros)
        clean_cnt = jnp.full((16,), FPT - jnp.sum(nan_tot), jnp.int32)

        row16[...] = clean_cnt
        pltpu.sync_copy(row16, shared.at[sid])
        plsc.subcore_barrier()
        pltpu.sync_copy(shared, allc)
        def pfx(w, carry):
            my_off, running = carry
            return (jnp.where(sidv == w, running, my_off),
                    running + allc[w])

        my_off, num_clean = lax.fori_loop(0, TILES, pfx, (zeros, zeros))
        dirty_off = num_clean + base - my_off

        def rank_group(g, carry):
            clean_c, acc = carry
            mrow = maskv[pl.ds(g * 16, 16)]
            clean = 1 - mrow
            cb = clean_c + (plsc.cumsum(clean) - clean)
            lpos = g * 16 + iota
            db = lpos - cb
            rank = jnp.where(mrow == 1, dirty_off + db, my_off + cb)
            acc = tuple(a + jnp.where(rank == t, lpos + 1, 0)
                        for a, t in zip(acc, TARGETS))
            clean_c = clean_c + plsc.all_reduce_population_count(clean == 1)
            return clean_c, acc

        _, accs = lax.fori_loop(
            0, GROUPS, rank_group,
            (zeros, tuple(zeros for _ in TARGETS)))

        for j in range(len(TARGETS)):
            sj = jnp.sum(accs[j])

            @pl.when(sj > 0)
            def _(sj=sj, j=j):
                pltpu.sync_copy(xr_hbm.at[pl.ds((base + sj - 1) * ROW, ROW)],
                                bounce)
                pltpu.sync_copy(bounce, out_hbm.at[j])


def kernel(x):
    xr = x[:, 522:, :].reshape(N_FRAMES, 63)
    xr = jnp.pad(xr, ((0, 0), (0, 1)))
    out = _sc_select(xr.reshape(N_FRAMES * ROW))
    return out[:, :63].reshape(len(TARGETS), 21, 3)

# --- scband reference (transcript-rebuilt; emitter-appended) ---
"""Pipeline reference for scband-reduce-frame-feature-gen-65841848648052 (READ-ONLY COPY).

The authoritative reference and input builder live on the scoring server;
editing this copy changes nothing except your own understanding.
"""

import jax, jax.numpy as jnp
import numpy as np


def get_frame_indices(n_frames, n_splits=10):
    split_size = n_frames // n_splits
    remainder = n_frames % n_splits
    splits = [split_size] * (n_splits - 1) + [split_size + remainder]
    indices = [0] + list(np.cumsum(splits))
    return [int(indices[i]) for i in range(n_splits)]


def round_up(root, devide):
    if root / devide != root // devide:
        num = root // devide + 1
    else:
        num = root // devide
    return num


def reduce_nan(t):
    nan_mask = jnp.isnan(t).any(axis=2).any(axis=1)
    order = jnp.argsort(nan_mask, stable=True)
    return t[order]


def setup_inputs(seed: int = 0) -> dict:
    key = jax.random.key(seed)
    x = jax.random.normal(key, (4096, 543, 3), dtype=jnp.float32)
    return {"x": x}


def reference(x):
    left_x = x[:, 468:489, :]
    right_x = x[:, 522:, :]
    left_x = reduce_nan(left_x)
    right_x = reduce_nan(right_x)
    left_frame = left_x.shape[0]
    right_frame = right_x.shape[0]
    if right_frame > left_frame:
        x = right_x
        num_frames = right_frame
    elif left_frame > right_frame:
        x = left_x
        x = x.at[:, :, 0].set(-x[:, :, 0])
        num_frames = left_frame
    elif (right_frame == 0) and (left_frame == 0):
        x = jnp.array([0])
        num_frames = 0
    elif right_frame == left_frame:
        x = right_x
        num_frames = right_frame
    split = 10
    if num_frames > split:
        indexes = get_frame_indices(num_frames, split)
        x = x[jnp.array(indexes, dtype=jnp.int32), :, :]
    else:
        num = round_up(split, num_frames)
        x = jnp.concatenate([x] * num, axis=0)
        x = x[:10, :, :]
    return x

if __name__ == "__main__":
    import jax
    _d = setup_inputs()
    print(jax.jit(kernel)(*tuple(_d.values())))

</pallas_src>

<mosaic_0001>
#map = affine_map<(d0, d1) -> (0)>
#map1 = affine_map<(d0, d1) -> (0, 0)>
module attributes {stable_mosaic.version = 14 : i64} {
  func.func @_sc_select(%arg0: i32, %arg1: i32, %arg2: memref<262144xf32, #tpu.memory_space<hbm>>, %arg3: memref<10x64xf32, #tpu.memory_space<hbm>>, %arg4: memref<16384xf32, #tpu.memory_space<vmem>>, %arg5: memref<256xi32, #tpu.memory_space<vmem>>, %arg6: memref<16xi32, #tpu.memory_space<vmem>>, %arg7: memref<16x16xi32, #tpu.memory_space<vmem_shared>>, %arg8: memref<16x16xi32, #tpu.memory_space<vmem>>, %arg9: memref<64xf32, #tpu.memory_space<vmem>>, %arg10: memref<!tpu.dma_semaphore, #tpu.memory_space<semaphore_mem>>) attributes {dimension_semantics = [#tpu.dimension_semantics<core_parallel>, #tpu.dimension_semantics<subcore_parallel>], iteration_bounds = array<i64: 1, 16>, scalar_prefetch = 0 : i64, scratch_operands = 7 : i64, tpu.core_type = #tpu.core_type<sc_vector_subcore>, window_params = [{transform_indices = #map}, {transform_indices = #map1}]} {
    %mul3A = arith.constant 256 : i32
    %mul3A_0 = arith.muli %arg1, %mul3A : i32
    %iota3A = tpu.iota {dimensions = array<i32: 0>} : vector<16xi32>
    %broadcast_in_dim3A = vector.broadcast %arg1 : i32 to vector<16xi32>
    %broadcast_in_dim3A_1 = arith.constant 0 : i32
    %broadcast_in_dim3A_2 = vector.broadcast %broadcast_in_dim3A_1 : i32 to vector<16xi32>
    %mul3A_3 = arith.constant 64 : i32
    %mul3A_4 = arith.muli %mul3A_0, %mul3A_3 : i32
    %dma_start3A = tpu.memref_slice %arg2[%mul3A_4] : memref<262144xf32, #tpu.memory_space<hbm>> -> memref<16384xf32, #tpu.memory_space<hbm>>
    %dma_start3A_5 = tpu.memref_slice %arg2[%mul3A_4] : memref<262144xf32, #tpu.memory_space<hbm>> -> memref<16384xf32, #tpu.memory_space<hbm>>
    tpu.enqueue_dma source(%dma_start3A_5 : memref<16384xf32, #tpu.memory_space<hbm>>) target(%arg4 : memref<16384xf32, #tpu.memory_space<vmem>>) target_semaphore(%arg10 : memref<!tpu.dma_semaphore, #tpu.memory_space<semaphore_mem>>)
    %eq3A = arith.constant 0 : i32
    %eq3A_6 = arith.cmpi eq, %arg1, %eq3A : i32
    %convert_element_type3A = arith.extui %eq3A_6 : i1 to i32
    %cond3A = arith.constant 0 : i32
    %cond3A_7 = arith.cmpi ne, %convert_element_type3A, %cond3A : i32
    scf.if %cond3A_7 {
      %run_scoped3A = arith.constant 0 : i32
      "tpu.region"() ({
        %run_scoped3A_109 = tpu.sem_alloc : memref<!tpu.dma_semaphore, #tpu.memory_space<semaphore_mem>>
        %dma_start3A_110 = arith.constant 0 : i32
        %dma_start3A_111 = tpu.memref_slice %arg3[%run_scoped3A, %dma_start3A_110] : memref<10x64xf32, #tpu.memory_space<hbm>> -> memref<1x64xf32, #tpu.memory_space<hbm>>
        %dma_start3A_112 = tpu.memref_squeeze %dma_start3A_111 : memref<1x64xf32, #tpu.memory_space<hbm>> -> memref<64xf32, #tpu.memory_space<hbm>>
        %dma_start3A_113 = arith.constant 0 : i32
        %dma_start3A_114 = tpu.memref_slice %arg2[%dma_start3A_113] : memref<262144xf32, #tpu.memory_space<hbm>> -> memref<64xf32, #tpu.memory_space<hbm>>
        tpu.enqueue_dma source(%dma_start3A_114 : memref<64xf32, #tpu.memory_space<hbm>>) target(%dma_start3A_112 : memref<64xf32, #tpu.memory_space<hbm>>) target_semaphore(%run_scoped3A_109 : memref<!tpu.dma_semaphore, #tpu.memory_space<semaphore_mem>>)
        %dma_wait3A_115 = arith.constant 0 : i32
        %dma_wait3A_116 = tpu.memref_slice %arg3[%run_scoped3A, %dma_wait3A_115] : memref<10x64xf32, #tpu.memory_space<hbm>> -> memref<1x64xf32, #tpu.memory_space<hbm>>
        %dma_wait3A_117 = tpu.memref_squeeze %dma_wait3A_116 : memref<1x64xf32, #tpu.memory_space<hbm>> -> memref<64xf32, #tpu.memory_space<hbm>>
        %dma_wait3A_118 = arith.constant 0 : i32
        %dma_wait3A_119 = tpu.memref_slice %arg2[%dma_wait3A_118] : memref<262144xf32, #tpu.memory_space<hbm>> -> memref<64xf32, #tpu.memory_space<hbm>>
        tpu.wait_dma2 semaphore(%run_scoped3A_109 : memref<!tpu.dma_semaphore, #tpu.memory_space<semaphore_mem>>) src(%dma_wait3A_119 : memref<64xf32, #tpu.memory_space<hbm>>) dst(%dma_wait3A_117 : memref<64xf32, #tpu.memory_space<hbm>>)
        tpu.yield
      }) : () -> ()
    } else {
    }
    %eq3A_8 = arith.constant 1 : i32
    %eq3A_9 = arith.cmpi eq, %arg1, %eq3A_8 : i32
    %convert_element_type3A_10 = arith.extui %eq3A_9 : i1 to i32
    %cond3A_11 = arith.constant 0 : i32
    %cond3A_12 = arith.cmpi ne, %convert_element_type3A_10, %cond3A_11 : i32
    scf.if %cond3A_12 {
      %run_scoped3A = arith.constant 1 : i32
      "tpu.region"() ({
        %run_scoped3A_109 = tpu.sem_alloc : memref<!tpu.dma_semaphore, #tpu.memory_space<semaphore_mem>>
        %dma_start3A_110 = arith.constant 0 : i32
        %dma_start3A_111 = tpu.memref_slice %arg3[%run_scoped3A, %dma_start3A_110] : memref<10x64xf32, #tpu.memory_space<hbm>> -> memref<1x64xf32, #tpu.memory_space<hbm>>
        %dma_start3A_112 = tpu.memref_squeeze %dma_start3A_111 : memref<1x64xf32, #tpu.memory_space<hbm>> -> memref<64xf32, #tpu.memory_space<hbm>>
        %dma_start3A_113 = arith.constant 26176 : i32
        %dma_start3A_114 = tpu.memref_slice %arg2[%dma_start3A_113] : memref<262144xf32, #tpu.memory_space<hbm>> -> memref<64xf32, #tpu.memory_space<hbm>>
        tpu.enqueue_dma source(%dma_start3A_114 : memref<64xf32, #tpu.memory_space<hbm>>) target(%dma_start3A_112 : memref<64xf32, #tpu.memory_space<hbm>>) target_semaphore(%run_scoped3A_109 : memref<!tpu.dma_semaphore, #tpu.memory_space<semaphore_mem>>)
        %dma_wait3A_115 = arith.constant 0 : i32
        %dma_wait3A_116 = tpu.memref_slice %arg3[%run_scoped3A, %dma_wait3A_115] : memref<10x64xf32, #tpu.memory_space<hbm>> -> memref<1x64xf32, #tpu.memory_space<hbm>>
        %dma_wait3A_117 = tpu.memref_squeeze %dma_wait3A_116 : memref<1x64xf32, #tpu.memory_space<hbm>> -> memref<64xf32, #tpu.memory_space<hbm>>
        %dma_wait3A_118 = arith.constant 26176 : i32
        %dma_wait3A_119 = tpu.memref_slice %arg2[%dma_wait3A_118] : memref<262144xf32, #tpu.memory_space<hbm>> -> memref<64xf32, #tpu.memory_space<hbm>>
        tpu.wait_dma2 semaphore(%run_scoped3A_109 : memref<!tpu.dma_semaphore, #tpu.memory_space<semaphore_mem>>) src(%dma_wait3A_119 : memref<64xf32, #tpu.memory_space<hbm>>) dst(%dma_wait3A_117 : memref<64xf32, #tpu.memory_space<hbm>>)
        tpu.yield
      }) : () -> ()
    } else {
    }
    %eq3A_13 = arith.constant 3 : i32
    %eq3A_14 = arith.cmpi eq, %arg1, %eq3A_13 : i32
    %convert_element_type3A_15 = arith.extui %eq3A_14 : i1 to i32
    %cond3A_16 = arith.constant 0 : i32
    %cond3A_17 = arith.cmpi ne, %convert_element_type3A_15, %cond3A_16 : i32
    scf.if %cond3A_17 {
      %run_scoped3A = arith.constant 2 : i32
      "tpu.region"() ({
        %run_scoped3A_109 = tpu.sem_alloc : memref<!tpu.dma_semaphore, #tpu.memory_space<semaphore_mem>>
        %dma_start3A_110 = arith.constant 0 : i32
        %dma_start3A_111 = tpu.memref_slice %arg3[%run_scoped3A, %dma_start3A_110] : memref<10x64xf32, #tpu.memory_space<hbm>> -> memref<1x64xf32, #tpu.memory_space<hbm>>
        %dma_start3A_112 = tpu.memref_squeeze %dma_start3A_111 : memref<1x64xf32, #tpu.memory_space<hbm>> -> memref<64xf32, #tpu.memory_space<hbm>>
        %dma_start3A_113 = arith.constant 52352 : i32
        %dma_start3A_114 = tpu.memref_slice %arg2[%dma_start3A_113] : memref<262144xf32, #tpu.memory_space<hbm>> -> memref<64xf32, #tpu.memory_space<hbm>>
        tpu.enqueue_dma source(%dma_start3A_114 : memref<64xf32, #tpu.memory_space<hbm>>) target(%dma_start3A_112 : memref<64xf32, #tpu.memory_space<hbm>>) target_semaphore(%run_scoped3A_109 : memref<!tpu.dma_semaphore, #tpu.memory_space<semaphore_mem>>)
        %dma_wait3A_115 = arith.constant 0 : i32
        %dma_wait3A_116 = tpu.memref_slice %arg3[%run_scoped3A, %dma_wait3A_115] : memref<10x64xf32, #tpu.memory_space<hbm>> -> memref<1x64xf32, #tpu.memory_space<hbm>>
        %dma_wait3A_117 = tpu.memref_squeeze %dma_wait3A_116 : memref<1x64xf32, #tpu.memory_space<hbm>> -> memref<64xf32, #tpu.memory_space<hbm>>
        %dma_wait3A_118 = arith.constant 52352 : i32
        %dma_wait3A_119 = tpu.memref_slice %arg2[%dma_wait3A_118] : memref<262144xf32, #tpu.memory_space<hbm>> -> memref<64xf32, #tpu.memory_space<hbm>>
        tpu.wait_dma2 semaphore(%run_scoped3A_109 : memref<!tpu.dma_semaphore, #tpu.memory_space<semaphore_mem>>) src(%dma_wait3A_119 : memref<64xf32, #tpu.memory_space<hbm>>) dst(%dma_wait3A_117 : memref<64xf32, #tpu.memory_space<hbm>>)
        tpu.yield
      }) : () -> ()
    } else {
    }
    %eq3A_18 = arith.constant 4 : i32
    %eq3A_19 = arith.cmpi eq, %arg1, %eq3A_18 : i32
    %convert_element_type3A_20 = arith.extui %eq3A_19 : i1 to i32
    %cond3A_21 = arith.constant 0 : i32
    %cond3A_22 = arith.cmpi ne, %convert_element_type3A_20, %cond3A_21 : i32
    scf.if %cond3A_22 {
      %run_scoped3A = arith.constant 3 : i32
      "tpu.region"() ({
        %run_scoped3A_109 = tpu.sem_alloc : memref<!tpu.dma_semaphore, #tpu.memory_space<semaphore_mem>>
        %dma_start3A_110 = arith.constant 0 : i32
        %dma_start3A_111 = tpu.memref_slice %arg3[%run_scoped3A, %dma_start3A_110] : memref<10x64xf32, #tpu.memory_space<hbm>> -> memref<1x64xf32, #tpu.memory_space<hbm>>
        %dma_start3A_112 = tpu.memref_squeeze %dma_start3A_111 : memref<1x64xf32, #tpu.memory_space<hbm>> -> memref<64xf32, #tpu.memory_space<hbm>>
        %dma_start3A_113 = arith.constant 78528 : i32
        %dma_start3A_114 = tpu.memref_slice %arg2[%dma_start3A_113] : memref<262144xf32, #tpu.memory_space<hbm>> -> memref<64xf32, #tpu.memory_space<hbm>>
        tpu.enqueue_dma source(%dma_start3A_114 : memref<64xf32, #tpu.memory_space<hbm>>) target(%dma_start3A_112 : memref<64xf32, #tpu.memory_space<hbm>>) target_semaphore(%run_scoped3A_109 : memref<!tpu.dma_semaphore, #tpu.memory_space<semaphore_mem>>)
        %dma_wait3A_115 = arith.constant 0 : i32
        %dma_wait3A_116 = tpu.memref_slice %arg3[%run_scoped3A, %dma_wait3A_115] : memref<10x64xf32, #tpu.memory_space<hbm>> -> memref<1x64xf32, #tpu.memory_space<hbm>>
        %dma_wait3A_117 = tpu.memref_squeeze %dma_wait3A_116 : memref<1x64xf32, #tpu.memory_space<hbm>> -> memref<64xf32, #tpu.memory_space<hbm>>
        %dma_wait3A_118 = arith.constant 78528 : i32
        %dma_wait3A_119 = tpu.memref_slice %arg2[%dma_wait3A_118] : memref<262144xf32, #tpu.memory_space<hbm>> -> memref<64xf32, #tpu.memory_space<hbm>>
        tpu.wait_dma2 semaphore(%run_scoped3A_109 : memref<!tpu.dma_semaphore, #tpu.memory_space<semaphore_mem>>) src(%dma_wait3A_119 : memref<64xf32, #tpu.memory_space<hbm>>) dst(%dma_wait3A_117 : memref<64xf32, #tpu.memory_space<hbm>>)
        tpu.yield
      }) : () -> ()
    } else {
    }
    %eq3A_23 = arith.constant 6 : i32
    %eq3A_24 = arith.cmpi eq, %arg1, %eq3A_23 : i32
    %convert_element_type3A_25 = arith.extui %eq3A_24 : i1 to i32
    %cond3A_26 = arith.constant 0 : i32
    %cond3A_27 = arith.cmpi ne, %convert_element_type3A_25, %cond3A_26 : i32
    scf.if %cond3A_27 {
      %run_scoped3A = arith.constant 4 : i32
      "tpu.region"() ({
        %run_scoped3A_109 = tpu.sem_alloc : memref<!tpu.dma_semaphore, #tpu.memory_space<semaphore_mem>>
        %dma_start3A_110 = arith.constant 0 : i32
        %dma_start3A_111 = tpu.memref_slice %arg3[%run_scoped3A, %dma_start3A_110] : memref<10x64xf32, #tpu.memory_space<hbm>> -> memref<1x64xf32, #tpu.memory_space<hbm>>
        %dma_start3A_112 = tpu.memref_squeeze %dma_start3A_111 : memref<1x64xf32, #tpu.memory_space<hbm>> -> memref<64xf32, #tpu.memory_space<hbm>>
        %dma_start3A_113 = arith.constant 104704 : i32
        %dma_start3A_114 = tpu.memref_slice %arg2[%dma_start3A_113] : memref<262144xf32, #tpu.memory_space<hbm>> -> memref<64xf32, #tpu.memory_space<hbm>>
        tpu.enqueue_dma source(%dma_start3A_114 : memref<64xf32, #tpu.memory_space<hbm>>) target(%dma_start3A_112 : memref<64xf32, #tpu.memory_space<hbm>>) target_semaphore(%run_scoped3A_109 : memref<!tpu.dma_semaphore, #tpu.memory_space<semaphore_mem>>)
        %dma_wait3A_115 = arith.constant 0 : i32
        %dma_wait3A_116 = tpu.memref_slice %arg3[%run_scoped3A, %dma_wait3A_115] : memref<10x64xf32, #tpu.memory_space<hbm>> -> memref<1x64xf32, #tpu.memory_space<hbm>>
        %dma_wait3A_117 = tpu.memref_squeeze %dma_wait3A_116 : memref<1x64xf32, #tpu.memory_space<hbm>> -> memref<64xf32, #tpu.memory_space<hbm>>
        %dma_wait3A_118 = arith.constant 104704 : i32
        %dma_wait3A_119 = tpu.memref_slice %arg2[%dma_wait3A_118] : memref<262144xf32, #tpu.memory_space<hbm>> -> memref<64xf32, #tpu.memory_space<hbm>>
        tpu.wait_dma2 semaphore(%run_scoped3A_109 : memref<!tpu.dma_semaphore, #tpu.memory_space<semaphore_mem>>) src(%dma_wait3A_119 : memref<64xf32, #tpu.memory_space<hbm>>) dst(%dma_wait3A_117 : memref<64xf32, #tpu.memory_space<hbm>>)
        tpu.yield
      }) : () -> ()
    } else {
    }
    %eq3A_28 = arith.constant 7 : i32
    %eq3A_29 = arith.cmpi eq, %arg1, %eq3A_28 : i32
    %convert_element_type3A_30 = arith.extui %eq3A_29 : i1 to i32
    %cond3A_31 = arith.constant 0 : i32
    %cond3A_32 = arith.cmpi ne, %convert_element_type3A_30, %cond3A_31 : i32
    scf.if %cond3A_32 {
      %run_scoped3A = arith.constant 5 : i32
      "tpu.region"() ({
        %run_scoped3A_109 = tpu.sem_alloc : memref<!tpu.dma_semaphore, #tpu.memory_space<semaphore_mem>>
        %dma_start3A_110 = arith.constant 0 : i32
        %dma_start3A_111 = tpu.memref_slice %arg3[%run_scoped3A, %dma_start3A_110] : memref<10x64xf32, #tpu.memory_space<hbm>> -> memref<1x64xf32, #tpu.memory_space<hbm>>
        %dma_start3A_112 = tpu.memref_squeeze %dma_start3A_111 : memref<1x64xf32, #tpu.memory_space<hbm>> -> memref<64xf32, #tpu.memory_space<hbm>>
        %dma_start3A_113 = arith.constant 130880 : i32
        %dma_start3A_114 = tpu.memref_slice %arg2[%dma_start3A_113] : memref<262144xf32, #tpu.memory_space<hbm>> -> memref<64xf32, #tpu.memory_space<hbm>>
        tpu.enqueue_dma source(%dma_start3A_114 : memref<64xf32, #tpu.memory_space<hbm>>) target(%dma_start3A_112 : memref<64xf32, #tpu.memory_space<hbm>>) target_semaphore(%run_scoped3A_109 : memref<!tpu.dma_semaphore, #tpu.memory_space<semaphore_mem>>)
        %dma_wait3A_115 = arith.constant 0 : i32
        %dma_wait3A_116 = tpu.memref_slice %arg3[%run_scoped3A, %dma_wait3A_115] : memref<10x64xf32, #tpu.memory_space<hbm>> -> memref<1x64xf32, #tpu.memory_space<hbm>>
        %dma_wait3A_117 = tpu.memref_squeeze %dma_wait3A_116 : memref<1x64xf32, #tpu.memory_space<hbm>> -> memref<64xf32, #tpu.memory_space<hbm>>
        %dma_wait3A_118 = arith.constant 130880 : i32
        %dma_wait3A_119 = tpu.memref_slice %arg2[%dma_wait3A_118] : memref<262144xf32, #tpu.memory_space<hbm>> -> memref<64xf32, #tpu.memory_space<hbm>>
        tpu.wait_dma2 semaphore(%run_scoped3A_109 : memref<!tpu.dma_semaphore, #tpu.memory_space<semaphore_mem>>) src(%dma_wait3A_119 : memref<64xf32, #tpu.memory_space<hbm>>) dst(%dma_wait3A_117 : memref<64xf32, #tpu.memory_space<hbm>>)
        tpu.yield
      }) : () -> ()
    } else {
    }
    %eq3A_33 = arith.constant 9 : i32
    %eq3A_34 = arith.cmpi eq, %arg1, %eq3A_33 : i32
    %convert_element_type3A_35 = arith.extui %eq3A_34 : i1 to i32
    %cond3A_36 = arith.constant 0 : i32
    %cond3A_37 = arith.cmpi ne, %convert_element_type3A_35, %cond3A_36 : i32
    scf.if %cond3A_37 {
      %run_scoped3A = arith.constant 6 : i32
      "tpu.region"() ({
        %run_scoped3A_109 = tpu.sem_alloc : memref<!tpu.dma_semaphore, #tpu.memory_space<semaphore_mem>>
        %dma_start3A_110 = arith.constant 0 : i32
        %dma_start3A_111 = tpu.memref_slice %arg3[%run_scoped3A, %dma_start3A_110] : memref<10x64xf32, #tpu.memory_space<hbm>> -> memref<1x64xf32, #tpu.memory_space<hbm>>
        %dma_start3A_112 = tpu.memref_squeeze %dma_start3A_111 : memref<1x64xf32, #tpu.memory_space<hbm>> -> memref<64xf32, #tpu.memory_space<hbm>>
        %dma_start3A_113 = arith.constant 157056 : i32
        %dma_start3A_114 = tpu.memref_slice %arg2[%dma_start3A_113] : memref<262144xf32, #tpu.memory_space<hbm>> -> memref<64xf32, #tpu.memory_space<hbm>>
        tpu.enqueue_dma source(%dma_start3A_114 : memref<64xf32, #tpu.memory_space<hbm>>) target(%dma_start3A_112 : memref<64xf32, #tpu.memory_space<hbm>>) target_semaphore(%run_scoped3A_109 : memref<!tpu.dma_semaphore, #tpu.memory_space<semaphore_mem>>)
        %dma_wait3A_115 = arith.constant 0 : i32
        %dma_wait3A_116 = tpu.memref_slice %arg3[%run_scoped3A, %dma_wait3A_115] : memref<10x64xf32, #tpu.memory_space<hbm>> -> memref<1x64xf32, #tpu.memory_space<hbm>>
        %dma_wait3A_117 = tpu.memref_squeeze %dma_wait3A_116 : memref<1x64xf32, #tpu.memory_space<hbm>> -> memref<64xf32, #tpu.memory_space<hbm>>
        %dma_wait3A_118 = arith.constant 157056 : i32
        %dma_wait3A_119 = tpu.memref_slice %arg2[%dma_wait3A_118] : memref<262144xf32, #tpu.memory_space<hbm>> -> memref<64xf32, #tpu.memory_space<hbm>>
        tpu.wait_dma2 semaphore(%run_scoped3A_109 : memref<!tpu.dma_semaphore, #tpu.memory_space<semaphore_mem>>) src(%dma_wait3A_119 : memref<64xf32, #tpu.memory_space<hbm>>) dst(%dma_wait3A_117 : memref<64xf32, #tpu.memory_space<hbm>>)
        tpu.yield
      }) : () -> ()
    } else {
    }
    %eq3A_38 = arith.constant 11 : i32
    %eq3A_39 = arith.cmpi eq, %arg1, %eq3A_38 : i32
    %convert_element_type3A_40 = arith.extui %eq3A_39 : i1 to i32
    %cond3A_41 = arith.constant 0 : i32
    %cond3A_42 = arith.cmpi ne, %convert_element_type3A_40, %cond3A_41 : i32
    scf.if %cond3A_42 {
      %run_scoped3A = arith.constant 7 : i32
      "tpu.region"() ({
        %run_scoped3A_109 = tpu.sem_alloc : memref<!tpu.dma_semaphore, #tpu.memory_space<semaphore_mem>>
        %dma_start3A_110 = arith.constant 0 : i32
        %dma_start3A_111 = tpu.memref_slice %arg3[%run_scoped3A, %dma_start3A_110] : memref<10x64xf32, #tpu.memory_space<hbm>> -> memref<1x64xf32, #tpu.memory_space<hbm>>
        %dma_start3A_112 = tpu.memref_squeeze %dma_start3A_111 : memref<1x64xf32, #tpu.memory_space<hbm>> -> memref<64xf32, #tpu.memory_space<hbm>>
        %dma_start3A_113 = arith.constant 183232 : i32
        %dma_start3A_114 = tpu.memref_slice %arg2[%dma_start3A_113] : memref<262144xf32, #tpu.memory_space<hbm>> -> memref<64xf32, #tpu.memory_space<hbm>>
        tpu.enqueue_dma source(%dma_start3A_114 : memref<64xf32, #tpu.memory_space<hbm>>) target(%dma_start3A_112 : memref<64xf32, #tpu.memory_space<hbm>>) target_semaphore(%run_scoped3A_109 : memref<!tpu.dma_semaphore, #tpu.memory_space<semaphore_mem>>)
        %dma_wait3A_115 = arith.constant 0 : i32
        %dma_wait3A_116 = tpu.memref_slice %arg3[%run_scoped3A, %dma_wait3A_115] : memref<10x64xf32, #tpu.memory_space<hbm>> -> memref<1x64xf32, #tpu.memory_space<hbm>>
        %dma_wait3A_117 = tpu.memref_squeeze %dma_wait3A_116 : memref<1x64xf32, #tpu.memory_space<hbm>> -> memref<64xf32, #tpu.memory_space<hbm>>
        %dma_wait3A_118 = arith.constant 183232 : i32
        %dma_wait3A_119 = tpu.memref_slice %arg2[%dma_wait3A_118] : memref<262144xf32, #tpu.memory_space<hbm>> -> memref<64xf32, #tpu.memory_space<hbm>>
        tpu.wait_dma2 semaphore(%run_scoped3A_109 : memref<!tpu.dma_semaphore, #tpu.memory_space<semaphore_mem>>) src(%dma_wait3A_119 : memref<64xf32, #tpu.memory_space<hbm>>) dst(%dma_wait3A_117 : memref<64xf32, #tpu.memory_space<hbm>>)
        tpu.yield
      }) : () -> ()
    } else {
    }
    %eq3A_43 = arith.constant 12 : i32
    %eq3A_44 = arith.cmpi eq, %arg1, %eq3A_43 : i32
    %convert_element_type3A_45 = arith.extui %eq3A_44 : i1 to i32
    %cond3A_46 = arith.constant 0 : i32
    %cond3A_47 = arith.cmpi ne, %convert_element_type3A_45, %cond3A_46 : i32
    scf.if %cond3A_47 {
      %run_scoped3A = arith.constant 8 : i32
      "tpu.region"() ({
        %run_scoped3A_109 = tpu.sem_alloc : memref<!tpu.dma_semaphore, #tpu.memory_space<semaphore_mem>>
        %dma_start3A_110 = arith.constant 0 : i32
        %dma_start3A_111 = tpu.memref_slice %arg3[%run_scoped3A, %dma_start3A_110] : memref<10x64xf32, #tpu.memory_space<hbm>> -> memref<1x64xf32, #tpu.memory_space<hbm>>
        %dma_start3A_112 = tpu.memref_squeeze %dma_start3A_111 : memref<1x64xf32, #tpu.memory_space<hbm>> -> memref<64xf32, #tpu.memory_space<hbm>>
        %dma_start3A_113 = arith.constant 209408 : i32
        %dma_start3A_114 = tpu.memref_slice %arg2[%dma_start3A_113] : memref<262144xf32, #tpu.memory_space<hbm>> -> memref<64xf32, #tpu.memory_space<hbm>>
        tpu.enqueue_dma source(%dma_start3A_114 : memref<64xf32, #tpu.memory_space<hbm>>) target(%dma_start3A_112 : memref<64xf32, #tpu.memory_space<hbm>>) target_semaphore(%run_scoped3A_109 : memref<!tpu.dma_semaphore, #tpu.memory_space<semaphore_mem>>)
        %dma_wait3A_115 = arith.constant 0 : i32
        %dma_wait3A_116 = tpu.memref_slice %arg3[%run_scoped3A, %dma_wait3A_115] : memref<10x64xf32, #tpu.memory_space<hbm>> -> memref<1x64xf32, #tpu.memory_space<hbm>>
        %dma_wait3A_117 = tpu.memref_squeeze %dma_wait3A_116 : memref<1x64xf32, #tpu.memory_space<hbm>> -> memref<64xf32, #tpu.memory_space<hbm>>
        %dma_wait3A_118 = arith.constant 209408 : i32
        %dma_wait3A_119 = tpu.memref_slice %arg2[%dma_wait3A_118] : memref<262144xf32, #tpu.memory_space<hbm>> -> memref<64xf32, #tpu.memory_space<hbm>>
        tpu.wait_dma2 semaphore(%run_scoped3A_109 : memref<!tpu.dma_semaphore, #tpu.memory_space<semaphore_mem>>) src(%dma_wait3A_119 : memref<64xf32, #tpu.memory_space<hbm>>) dst(%dma_wait3A_117 : memref<64xf32, #tpu.memory_space<hbm>>)
        tpu.yield
      }) : () -> ()
    } else {
    }
    %eq3A_48 = arith.constant 14 : i32
    %eq3A_49 = arith.cmpi eq, %arg1, %eq3A_48 : i32
    %convert_element_type3A_50 = arith.extui %eq3A_49 : i1 to i32
    %cond3A_51 = arith.constant 0 : i32
    %cond3A_52 = arith.cmpi ne, %convert_element_type3A_50, %cond3A_51 : i32
    scf.if %cond3A_52 {
      %run_scoped3A = arith.constant 9 : i32
      "tpu.region"() ({
        %run_scoped3A_109 = tpu.sem_alloc : memref<!tpu.dma_semaphore, #tpu.memory_space<semaphore_mem>>
        %dma_start3A_110 = arith.constant 0 : i32
        %dma_start3A_111 = tpu.memref_slice %arg3[%run_scoped3A, %dma_start3A_110] : memref<10x64xf32, #tpu.memory_space<hbm>> -> memref<1x64xf32, #tpu.memory_space<hbm>>
        %dma_start3A_112 = tpu.memref_squeeze %dma_start3A_111 : memref<1x64xf32, #tpu.memory_space<hbm>> -> memref<64xf32, #tpu.memory_space<hbm>>
        %dma_start3A_113 = arith.constant 235584 : i32
        %dma_start3A_114 = tpu.memref_slice %arg2[%dma_start3A_113] : memref<262144xf32, #tpu.memory_space<hbm>> -> memref<64xf32, #tpu.memory_space<hbm>>
        tpu.enqueue_dma source(%dma_start3A_114 : memref<64xf32, #tpu.memory_space<hbm>>) target(%dma_start3A_112 : memref<64xf32, #tpu.memory_space<hbm>>) target_semaphore(%run_scoped3A_109 : memref<!tpu.dma_semaphore, #tpu.memory_space<semaphore_mem>>)
        %dma_wait3A_115 = arith.constant 0 : i32
        %dma_wait3A_116 = tpu.memref_slice %arg3[%run_scoped3A, %dma_wait3A_115] : memref<10x64xf32, #tpu.memory_space<hbm>> -> memref<1x64xf32, #tpu.memory_space<hbm>>
        %dma_wait3A_117 = tpu.memref_squeeze %dma_wait3A_116 : memref<1x64xf32, #tpu.memory_space<hbm>> -> memref<64xf32, #tpu.memory_space<hbm>>
        %dma_wait3A_118 = arith.constant 235584 : i32
        %dma_wait3A_119 = tpu.memref_slice %arg2[%dma_wait3A_118] : memref<262144xf32, #tpu.memory_space<hbm>> -> memref<64xf32, #tpu.memory_space<hbm>>
        tpu.wait_dma2 semaphore(%run_scoped3A_109 : memref<!tpu.dma_semaphore, #tpu.memory_space<semaphore_mem>>) src(%dma_wait3A_119 : memref<64xf32, #tpu.memory_space<hbm>>) dst(%dma_wait3A_117 : memref<64xf32, #tpu.memory_space<hbm>>)
        tpu.yield
      }) : () -> ()
    } else {
    }
    %broadcast_in_dim3A_53 = arith.constant 0.000000e+00 : f32
    %broadcast_in_dim3A_54 = vector.broadcast %broadcast_in_dim3A_53 : f32 to vector<16xf32>
    %dma_wait3A = tpu.memref_slice %arg2[%mul3A_4] : memref<262144xf32, #tpu.memory_space<hbm>> -> memref<16384xf32, #tpu.memory_space<hbm>>
    %dma_wait3A_55 = tpu.memref_slice %arg2[%mul3A_4] : memref<262144xf32, #tpu.memory_space<hbm>> -> memref<16384xf32, #tpu.memory_space<hbm>>
    tpu.wait_dma2 semaphore(%arg10 : memref<!tpu.dma_semaphore, #tpu.memory_space<semaphore_mem>>) src(%dma_wait3A_55 : memref<16384xf32, #tpu.memory_space<hbm>>) dst(%arg4 : memref<16384xf32, #tpu.memory_space<vmem>>)
    %scan3A = arith.constant 0 : i32
    %scan3A_56 = arith.constant 16 : i32
    %scan3A_57 = arith.addi %scan3A, %scan3A_56 : i32
    %scan3A_58 = arith.constant 1 : i32
    %scan3A_59:8 = scf.for %scan3A_109 = %scan3A to %scan3A_57 step %scan3A_58 iter_args(%scan3A_110 = %broadcast_in_dim3A_54, %scan3A_111 = %broadcast_in_dim3A_54, %scan3A_112 = %broadcast_in_dim3A_54, %scan3A_113 = %broadcast_in_dim3A_54, %scan3A_114 = %broadcast_in_dim3A_54, %scan3A_115 = %broadcast_in_dim3A_54, %scan3A_116 = %broadcast_in_dim3A_54, %scan3A_117 = %broadcast_in_dim3A_54) -> (vector<16xf32>, vector<16xf32>, vector<16xf32>, vector<16xf32>, vector<16xf32>, vector<16xf32>, vector<16xf32>, vector<16xf32>)  : i32 {
      %mul3A_118 = arith.constant 1024 : i32
      %mul3A_119 = arith.muli %scan3A_109, %mul3A_118 : i32
      %add3A_120 = arith.constant 0 : i32
      %add3A_121 = arith.addi %mul3A_119, %add3A_120 : i32
      %get3A = arith.index_cast %add3A_121 : i32 to index
      %get3A_122 = tpu.vector_load %arg4[%get3A] {strides = array<i32>} : memref<16384xf32, #tpu.memory_space<vmem>>, vector<16xf32>,
      %add3A_123 = arith.addf %scan3A_110, %get3A_122 : vector<16xf32>
      %add3A_124 = arith.constant 16 : i32
      %add3A_125 = arith.addi %mul3A_119, %add3A_124 : i32
      %get3A_126 = arith.index_cast %add3A_125 : i32 to index
      %get3A_127 = tpu.vector_load %arg4[%get3A_126] {strides = array<i32>} : memref<16384xf32, #tpu.memory_space<vmem>>, vector<16xf32>,
      %add3A_128 = arith.addf %scan3A_111, %get3A_127 : vector<16xf32>
      %add3A_129 = arith.constant 32 : i32
      %add3A_130 = arith.addi %mul3A_119, %add3A_129 : i32
      %get3A_131 = arith.index_cast %add3A_130 : i32 to index
      %get3A_132 = tpu.vector_load %arg4[%get3A_131] {strides = array<i32>} : memref<16384xf32, #tpu.memory_space<vmem>>, vector<16xf32>,
      %add3A_133 = arith.addf %scan3A_112, %get3A_132 : vector<16xf32>
      %add3A_134 = arith.constant 48 : i32
      %add3A_135 = arith.addi %mul3A_119, %add3A_134 : i32
      %get3A_136 = arith.index_cast %add3A_135 : i32 to index
      %get3A_137 = tpu.vector_load %arg4[%get3A_136] {strides = array<i32>} : memref<16384xf32, #tpu.memory_space<vmem>>, vector<16xf32>,
      %add3A_138 = arith.addf %scan3A_113, %get3A_137 : vector<16xf32>
      %add3A_139 = arith.constant 64 : i32
      %add3A_140 = arith.addi %mul3A_119, %add3A_139 : i32
      %get3A_141 = arith.index_cast %add3A_140 : i32 to index
      %get3A_142 = tpu.vector_load %arg4[%get3A_141] {strides = array<i32>} : memref<16384xf32, #tpu.memory_space<vmem>>, vector<16xf32>,
      %add3A_143 = arith.addf %scan3A_114, %get3A_142 : vector<16xf32>
      %add3A_144 = arith.constant 80 : i32
      %add3A_145 = arith.addi %mul3A_119, %add3A_144 : i32
      %get3A_146 = arith.index_cast %add3A_145 : i32 to index
      %get3A_147 = tpu.vector_load %arg4[%get3A_146] {strides = array<i32>} : memref<16384xf32, #tpu.memory_space<vmem>>, vector<16xf32>,
      %add3A_148 = arith.addf %scan3A_115, %get3A_147 : vector<16xf32>
      %add3A_149 = arith.constant 96 : i32
      %add3A_150 = arith.addi %mul3A_119, %add3A_149 : i32
      %get3A_151 = arith.index_cast %add3A_150 : i32 to index
      %get3A_152 = tpu.vector_load %arg4[%get3A_151] {strides = array<i32>} : memref<16384xf32, #tpu.memory_space<vmem>>, vector<16xf32>,
      %add3A_153 = arith.addf %scan3A_116, %get3A_152 : vector<16xf32>
      %add3A_154 = arith.constant 112 : i32
      %add3A_155 = arith.addi %mul3A_119, %add3A_154 : i32
      %get3A_156 = arith.index_cast %add3A_155 : i32 to index
      %get3A_157 = tpu.vector_load %arg4[%get3A_156] {strides = array<i32>} : memref<16384xf32, #tpu.memory_space<vmem>>, vector<16xf32>,
      %add3A_158 = arith.addf %scan3A_117, %get3A_157 : vector<16xf32>
      %add3A_159 = arith.constant 128 : i32
      %add3A_160 = arith.addi %mul3A_119, %add3A_159 : i32
      %get3A_161 = arith.index_cast %add3A_160 : i32 to index
      %get3A_162 = tpu.vector_load %arg4[%get3A_161] {strides = array<i32>} : memref<16384xf32, #tpu.memory_space<vmem>>, vector<16xf32>,
      %add3A_163 = arith.addf %add3A_123, %get3A_162 : vector<16xf32>
      %add3A_164 = arith.constant 144 : i32
      %add3A_165 = arith.addi %mul3A_119, %add3A_164 : i32
      %get3A_166 = arith.index_cast %add3A_165 : i32 to index
      %get3A_167 = tpu.vector_load %arg4[%get3A_166] {strides = array<i32>} : memref<16384xf32, #tpu.memory_space<vmem>>, vector<16xf32>,
      %add3A_168 = arith.addf %add3A_128, %get3A_167 : vector<16xf32>
      %add3A_169 = arith.constant 160 : i32
      %add3A_170 = arith.addi %mul3A_119, %add3A_169 : i32
      %get3A_171 = arith.index_cast %add3A_170 : i32 to index
      %get3A_172 = tpu.vector_load %arg4[%get3A_171] {strides = array<i32>} : memref<16384xf32, #tpu.memory_space<vmem>>, vector<16xf32>,
      %add3A_173 = arith.addf %add3A_133, %get3A_172 : vector<16xf32>
      %add3A_174 = arith.constant 176 : i32
      %add3A_175 = arith.addi %mul3A_119, %add3A_174 : i32
      %get3A_176 = arith.index_cast %add3A_175 : i32 to index
      %get3A_177 = tpu.vector_load %arg4[%get3A_176] {strides = array<i32>} : memref<16384xf32, #tpu.memory_space<vmem>>, vector<16xf32>,
      %add3A_178 = arith.addf %add3A_138, %get3A_177 : vector<16xf32>
      %add3A_179 = arith.constant 192 : i32
      %add3A_180 = arith.addi %mul3A_119, %add3A_179 : i32
      %get3A_181 = arith.index_cast %add3A_180 : i32 to index
      %get3A_182 = tpu.vector_load %arg4[%get3A_181] {strides = array<i32>} : memref<16384xf32, #tpu.memory_space<vmem>>, vector<16xf32>,
      %add3A_183 = arith.addf %add3A_143, %get3A_182 : vector<16xf32>
      %add3A_184 = arith.constant 208 : i32
      %add3A_185 = arith.addi %mul3A_119, %add3A_184 : i32
      %get3A_186 = arith.index_cast %add3A_185 : i32 to index
      %get3A_187 = tpu.vector_load %arg4[%get3A_186] {strides = array<i32>} : memref<16384xf32, #tpu.memory_space<vmem>>, vector<16xf32>,
      %add3A_188 = arith.addf %add3A_148, %get3A_187 : vector<16xf32>
      %add3A_189 = arith.constant 224 : i32
      %add3A_190 = arith.addi %mul3A_119, %add3A_189 : i32
      %get3A_191 = arith.index_cast %add3A_190 : i32 to index
      %get3A_192 = tpu.vector_load %arg4[%get3A_191] {strides = array<i32>} : memref<16384xf32, #tpu.memory_space<vmem>>, vector<16xf32>,
      %add3A_193 = arith.addf %add3A_153, %get3A_192 : vector<16xf32>
      %add3A_194 = arith.constant 240 : i32
      %add3A_195 = arith.addi %mul3A_119, %add3A_194 : i32
      %get3A_196 = arith.index_cast %add3A_195 : i32 to index
      %get3A_197 = tpu.vector_load %arg4[%get3A_196] {strides = array<i32>} : memref<16384xf32, #tpu.memory_space<vmem>>, vector<16xf32>,
      %add3A_198 = arith.addf %add3A_158, %get3A_197 : vector<16xf32>
      %add3A_199 = arith.constant 256 : i32
      %add3A_200 = arith.addi %mul3A_119, %add3A_199 : i32
      %get3A_201 = arith.index_cast %add3A_200 : i32 to index
      %get3A_202 = tpu.vector_load %arg4[%get3A_201] {strides = array<i32>} : memref<16384xf32, #tpu.memory_space<vmem>>, vector<16xf32>,
      %add3A_203 = arith.addf %add3A_163, %get3A_202 : vector<16xf32>
      %add3A_204 = arith.constant 272 : i32
      %add3A_205 = arith.addi %mul3A_119, %add3A_204 : i32
      %get3A_206 = arith.index_cast %add3A_205 : i32 to index
      %get3A_207 = tpu.vector_load %arg4[%get3A_206] {strides = array<i32>} : memref<16384xf32, #tpu.memory_space<vmem>>, vector<16xf32>,
      %add3A_208 = arith.addf %add3A_168, %get3A_207 : vector<16xf32>
      %add3A_209 = arith.constant 288 : i32
      %add3A_210 = arith.addi %mul3A_119, %add3A_209 : i32
      %get3A_211 = arith.index_cast %add3A_210 : i32 to index
      %get3A_212 = tpu.vector_load %arg4[%get3A_211] {strides = array<i32>} : memref<16384xf32, #tpu.memory_space<vmem>>, vector<16xf32>,
      %add3A_213 = arith.addf %add3A_173, %get3A_212 : vector<16xf32>
      %add3A_214 = arith.constant 304 : i32
      %add3A_215 = arith.addi %mul3A_119, %add3A_214 : i32
      %get3A_216 = arith.index_cast %add3A_215 : i32 to index
      %get3A_217 = tpu.vector_load %arg4[%get3A_216] {strides = array<i32>} : memref<16384xf32, #tpu.memory_space<vmem>>, vector<16xf32>,
      %add3A_218 = arith.addf %add3A_178, %get3A_217 : vector<16xf32>
      %add3A_219 = arith.constant 320 : i32
      %add3A_220 = arith.addi %mul3A_119, %add3A_219 : i32
      %get3A_221 = arith.index_cast %add3A_220 : i32 to index
      %get3A_222 = tpu.vector_load %arg4[%get3A_221] {strides = array<i32>} : memref<16384xf32, #tpu.memory_space<vmem>>, vector<16xf32>,
      %add3A_223 = arith.addf %add3A_183, %get3A_222 : vector<16xf32>
      %add3A_224 = arith.constant 336 : i32
      %add3A_225 = arith.addi %mul3A_119, %add3A_224 : i32
      %get3A_226 = arith.index_cast %add3A_225 : i32 to index
      %get3A_227 = tpu.vector_load %arg4[%get3A_226] {strides = array<i32>} : memref<16384xf32, #tpu.memory_space<vmem>>, vector<16xf32>,
      %add3A_228 = arith.addf %add3A_188, %get3A_227 : vector<16xf32>
      %add3A_229 = arith.constant 352 : i32
      %add3A_230 = arith.addi %mul3A_119, %add3A_229 : i32
      %get3A_231 = arith.index_cast %add3A_230 : i32 to index
      %get3A_232 = tpu.vector_load %arg4[%get3A_231] {strides = array<i32>} : memref<16384xf32, #tpu.memory_space<vmem>>, vector<16xf32>,
      %add3A_233 = arith.addf %add3A_193, %get3A_232 : vector<16xf32>
      %add3A_234 = arith.constant 368 : i32
      %add3A_235 = arith.addi %mul3A_119, %add3A_234 : i32
      %get3A_236 = arith.index_cast %add3A_235 : i32 to index
      %get3A_237 = tpu.vector_load %arg4[%get3A_236] {strides = array<i32>} : memref<16384xf32, #tpu.memory_space<vmem>>, vector<16xf32>,
      %add3A_238 = arith.addf %add3A_198, %get3A_237 : vector<16xf32>
      %add3A_239 = arith.constant 384 : i32
      %add3A_240 = arith.addi %mul3A_119, %add3A_239 : i32
      %get3A_241 = arith.index_cast %add3A_240 : i32 to index
      %get3A_242 = tpu.vector_load %arg4[%get3A_241] {strides = array<i32>} : memref<16384xf32, #tpu.memory_space<vmem>>, vector<16xf32>,
      %add3A_243 = arith.addf %add3A_203, %get3A_242 : vector<16xf32>
      %add3A_244 = arith.constant 400 : i32
      %add3A_245 = arith.addi %mul3A_119, %add3A_244 : i32
      %get3A_246 = arith.index_cast %add3A_245 : i32 to index
      %get3A_247 = tpu.vector_load %arg4[%get3A_246] {strides = array<i32>} : memref<16384xf32, #tpu.memory_space<vmem>>, vector<16xf32>,
      %add3A_248 = arith.addf %add3A_208, %get3A_247 : vector<16xf32>
      %add3A_249 = arith.constant 416 : i32
      %add3A_250 = arith.addi %mul3A_119, %add3A_249 : i32
      %get3A_251 = arith.index_cast %add3A_250 : i32 to index
      %get3A_252 = tpu.vector_load %arg4[%get3A_251] {strides = array<i32>} : memref<16384xf32, #tpu.memory_space<vmem>>, vector<16xf32>,
      %add3A_253 = arith.addf %add3A_213, %get3A_252 : vector<16xf32>
      %add3A_254 = arith.constant 432 : i32
      %add3A_255 = arith.addi %mul3A_119, %add3A_254 : i32
      %get3A_256 = arith.index_cast %add3A_255 : i32 to index
      %get3A_257 = tpu.vector_load %arg4[%get3A_256] {strides = array<i32>} : memref<16384xf32, #tpu.memory_space<vmem>>, vector<16xf32>,
      %add3A_258 = arith.addf %add3A_218, %get3A_257 : vector<16xf32>
      %add3A_259 = arith.constant 448 : i32
      %add3A_260 = arith.addi %mul3A_119, %add3A_259 : i32
      %get3A_261 = arith.index_cast %add3A_260 : i32 to index
      %get3A_262 = tpu.vector_load %arg4[%get3A_261] {strides = array<i32>} : memref<16384xf32, #tpu.memory_space<vmem>>, vector<16xf32>,
      %add3A_263 = arith.addf %add3A_223, %get3A_262 : vector<16xf32>
      %add3A_264 = arith.constant 464 : i32
      %add3A_265 = arith.addi %mul3A_119, %add3A_264 : i32
      %get3A_266 = arith.index_cast %add3A_265 : i32 to index
      %get3A_267 = tpu.vector_load %arg4[%get3A_266] {strides = array<i32>} : memref<16384xf32, #tpu.memory_space<vmem>>, vector<16xf32>,
      %add3A_268 = arith.addf %add3A_228, %get3A_267 : vector<16xf32>
      %add3A_269 = arith.constant 480 : i32
      %add3A_270 = arith.addi %mul3A_119, %add3A_269 : i32
      %get3A_271 = arith.index_cast %add3A_270 : i32 to index
      %get3A_272 = tpu.vector_load %arg4[%get3A_271] {strides = array<i32>} : memref<16384xf32, #tpu.memory_space<vmem>>, vector<16xf32>,
      %add3A_273 = arith.addf %add3A_233, %get3A_272 : vector<16xf32>
      %add3A_274 = arith.constant 496 : i32
      %add3A_275 = arith.addi %mul3A_119, %add3A_274 : i32
      %get3A_276 = arith.index_cast %add3A_275 : i32 to index
      %get3A_277 = tpu.vector_load %arg4[%get3A_276] {strides = array<i32>} : memref<16384xf32, #tpu.memory_space<vmem>>, vector<16xf32>,
      %add3A_278 = arith.addf %add3A_238, %get3A_277 : vector<16xf32>
      %add3A_279 = arith.constant 512 : i32
      %add3A_280 = arith.addi %mul3A_119, %add3A_279 : i32
      %get3A_281 = arith.index_cast %add3A_280 : i32 to index
      %get3A_282 = tpu.vector_load %arg4[%get3A_281] {strides = array<i32>} : memref<16384xf32, #tpu.memory_space<vmem>>, vector<16xf32>,
      %add3A_283 = arith.addf %add3A_243, %get3A_282 : vector<16xf32>
      %add3A_284 = arith.constant 528 : i32
      %add3A_285 = arith.addi %mul3A_119, %add3A_284 : i32
      %get3A_286 = arith.index_cast %add3A_285 : i32 to index
      %get3A_287 = tpu.vector_load %arg4[%get3A_286] {strides = array<i32>} : memref<16384xf32, #tpu.memory_space<vmem>>, vector<16xf32>,
      %add3A_288 = arith.addf %add3A_248, %get3A_287 : vector<16xf32>
      %add3A_289 = arith.constant 544 : i32
      %add3A_290 = arith.addi %mul3A_119, %add3A_289 : i32
      %get3A_291 = arith.index_cast %add3A_290 : i32 to index
      %get3A_292 = tpu.vector_load %arg4[%get3A_291] {strides = array<i32>} : memref<16384xf32, #tpu.memory_space<vmem>>, vector<16xf32>,
      %add3A_293 = arith.addf %add3A_253, %get3A_292 : vector<16xf32>
      %add3A_294 = arith.constant 560 : i32
      %add3A_295 = arith.addi %mul3A_119, %add3A_294 : i32
      %get3A_296 = arith.index_cast %add3A_295 : i32 to index
      %get3A_297 = tpu.vector_load %arg4[%get3A_296] {strides = array<i32>} : memref<16384xf32, #tpu.memory_space<vmem>>, vector<16xf32>,
      %add3A_298 = arith.addf %add3A_258, %get3A_297 : vector<16xf32>
      %add3A_299 = arith.constant 576 : i32
      %add3A_300 = arith.addi %mul3A_119, %add3A_299 : i32
      %get3A_301 = arith.index_cast %add3A_300 : i32 to index
      %get3A_302 = tpu.vector_load %arg4[%get3A_301] {strides = array<i32>} : memref<16384xf32, #tpu.memory_space<vmem>>, vector<16xf32>,
      %add3A_303 = arith.addf %add3A_263, %get3A_302 : vector<16xf32>
      %add3A_304 = arith.constant 592 : i32
      %add3A_305 = arith.addi %mul3A_119, %add3A_304 : i32
      %get3A_306 = arith.index_cast %add3A_305 : i32 to index
      %get3A_307 = tpu.vector_load %arg4[%get3A_306] {strides = array<i32>} : memref<16384xf32, #tpu.memory_space<vmem>>, vector<16xf32>,
      %add3A_308 = arith.addf %add3A_268, %get3A_307 : vector<16xf32>
      %add3A_309 = arith.constant 608 : i32
      %add3A_310 = arith.addi %mul3A_119, %add3A_309 : i32
      %get3A_311 = arith.index_cast %add3A_310 : i32 to index
      %get3A_312 = tpu.vector_load %arg4[%get3A_311] {strides = array<i32>} : memref<16384xf32, #tpu.memory_space<vmem>>, vector<16xf32>,
      %add3A_313 = arith.addf %add3A_273, %get3A_312 : vector<16xf32>
      %add3A_314 = arith.constant 624 : i32
      %add3A_315 = arith.addi %mul3A_119, %add3A_314 : i32
      %get3A_316 = arith.index_cast %add3A_315 : i32 to index
      %get3A_317 = tpu.vector_load %arg4[%get3A_316] {strides = array<i32>} : memref<16384xf32, #tpu.memory_space<vmem>>, vector<16xf32>,
      %add3A_318 = arith.addf %add3A_278, %get3A_317 : vector<16xf32>
      %add3A_319 = arith.constant 640 : i32
      %add3A_320 = arith.addi %mul3A_119, %add3A_319 : i32
      %get3A_321 = arith.index_cast %add3A_320 : i32 to index
      %get3A_322 = tpu.vector_load %arg4[%get3A_321] {strides = array<i32>} : memref<16384xf32, #tpu.memory_space<vmem>>, vector<16xf32>,
      %add3A_323 = arith.addf %add3A_283, %get3A_322 : vector<16xf32>
      %add3A_324 = arith.constant 656 : i32
      %add3A_325 = arith.addi %mul3A_119, %add3A_324 : i32
      %get3A_326 = arith.index_cast %add3A_325 : i32 to index
      %get3A_327 = tpu.vector_load %arg4[%get3A_326] {strides = array<i32>} : memref<16384xf32, #tpu.memory_space<vmem>>, vector<16xf32>,
      %add3A_328 = arith.addf %add3A_288, %get3A_327 : vector<16xf32>
      %add3A_329 = arith.constant 672 : i32
      %add3A_330 = arith.addi %mul3A_119, %add3A_329 : i32
      %get3A_331 = arith.index_cast %add3A_330 : i32 to index
      %get3A_332 = tpu.vector_load %arg4[%get3A_331] {strides = array<i32>} : memref<16384xf32, #tpu.memory_space<vmem>>, vector<16xf32>,
      %add3A_333 = arith.addf %add3A_293, %get3A_332 : vector<16xf32>
      %add3A_334 = arith.constant 688 : i32
      %add3A_335 = arith.addi %mul3A_119, %add3A_334 : i32
      %get3A_336 = arith.index_cast %add3A_335 : i32 to index
      %get3A_337 = tpu.vector_load %arg4[%get3A_336] {strides = array<i32>} : memref<16384xf32, #tpu.memory_space<vmem>>, vector<16xf32>,
      %add3A_338 = arith.addf %add3A_298, %get3A_337 : vector<16xf32>
      %add3A_339 = arith.constant 704 : i32
      %add3A_340 = arith.addi %mul3A_119, %add3A_339 : i32
      %get3A_341 = arith.index_cast %add3A_340 : i32 to index
      %get3A_342 = tpu.vector_load %arg4[%get3A_341] {strides = array<i32>} : memref<16384xf32, #tpu.memory_space<vmem>>, vector<16xf32>,
      %add3A_343 = arith.addf %add3A_303, %get3A_342 : vector<16xf32>
      %add3A_344 = arith.constant 720 : i32
      %add3A_345 = arith.addi %mul3A_119, %add3A_344 : i32
      %get3A_346 = arith.index_cast %add3A_345 : i32 to index
      %get3A_347 = tpu.vector_load %arg4[%get3A_346] {strides = array<i32>} : memref<16384xf32, #tpu.memory_space<vmem>>, vector<16xf32>,
      %add3A_348 = arith.addf %add3A_308, %get3A_347 : vector<16xf32>
      %add3A_349 = arith.constant 736 : i32
      %add3A_350 = arith.addi %mul3A_119, %add3A_349 : i32
      %get3A_351 = arith.index_cast %add3A_350 : i32 to index
      %get3A_352 = tpu.vector_load %arg4[%get3A_351] {strides = array<i32>} : memref<16384xf32, #tpu.memory_space<vmem>>, vector<16xf32>,
      %add3A_353 = arith.addf %add3A_313, %get3A_352 : vector<16xf32>
      %add3A_354 = arith.constant 752 : i32
      %add3A_355 = arith.addi %mul3A_119, %add3A_354 : i32
      %get3A_356 = arith.index_cast %add3A_355 : i32 to index
      %get3A_357 = tpu.vector_load %arg4[%get3A_356] {strides = array<i32>} : memref<16384xf32, #tpu.memory_space<vmem>>, vector<16xf32>,
      %add3A_358 = arith.addf %add3A_318, %get3A_357 : vector<16xf32>
      %add3A_359 = arith.constant 768 : i32
      %add3A_360 = arith.addi %mul3A_119, %add3A_359 : i32
      %get3A_361 = arith.index_cast %add3A_360 : i32 to index
      %get3A_362 = tpu.vector_load %arg4[%get3A_361] {strides = array<i32>} : memref<16384xf32, #tpu.memory_space<vmem>>, vector<16xf32>,
      %add3A_363 = arith.addf %add3A_323, %get3A_362 : vector<16xf32>
      %add3A_364 = arith.constant 784 : i32
      %add3A_365 = arith.addi %mul3A_119, %add3A_364 : i32
      %get3A_366 = arith.index_cast %add3A_365 : i32 to index
      %get3A_367 = tpu.vector_load %arg4[%get3A_366] {strides = array<i32>} : memref<16384xf32, #tpu.memory_space<vmem>>, vector<16xf32>,
      %add3A_368 = arith.addf %add3A_328, %get3A_367 : vector<16xf32>
      %add3A_369 = arith.constant 800 : i32
      %add3A_370 = arith.addi %mul3A_119, %add3A_369 : i32
      %get3A_371 = arith.index_cast %add3A_370 : i32 to index
      %get3A_372 = tpu.vector_load %arg4[%get3A_371] {strides = array<i32>} : memref<16384xf32, #tpu.memory_space<vmem>>, vector<16xf32>,
      %add3A_373 = arith.addf %add3A_333, %get3A_372 : vector<16xf32>
      %add3A_374 = arith.constant 816 : i32
      %add3A_375 = arith.addi %mul3A_119, %add3A_374 : i32
      %get3A_376 = arith.index_cast %add3A_375 : i32 to index
      %get3A_377 = tpu.vector_load %arg4[%get3A_376] {strides = array<i32>} : memref<16384xf32, #tpu.memory_space<vmem>>, vector<16xf32>,
      %add3A_378 = arith.addf %add3A_338, %get3A_377 : vector<16xf32>
      %add3A_379 = arith.constant 832 : i32
      %add3A_380 = arith.addi %mul3A_119, %add3A_379 : i32
      %get3A_381 = arith.index_cast %add3A_380 : i32 to index
      %get3A_382 = tpu.vector_load %arg4[%get3A_381] {strides = array<i32>} : memref<16384xf32, #tpu.memory_space<vmem>>, vector<16xf32>,
      %add3A_383 = arith.addf %add3A_343, %get3A_382 : vector<16xf32>
      %add3A_384 = arith.constant 848 : i32
      %add3A_385 = arith.addi %mul3A_119, %add3A_384 : i32
      %get3A_386 = arith.index_cast %add3A_385 : i32 to index
      %get3A_387 = tpu.vector_load %arg4[%get3A_386] {strides = array<i32>} : memref<16384xf32, #tpu.memory_space<vmem>>, vector<16xf32>,
      %add3A_388 = arith.addf %add3A_348, %get3A_387 : vector<16xf32>
      %add3A_389 = arith.constant 864 : i32
      %add3A_390 = arith.addi %mul3A_119, %add3A_389 : i32
      %get3A_391 = arith.index_cast %add3A_390 : i32 to index
      %get3A_392 = tpu.vector_load %arg4[%get3A_391] {strides = array<i32>} : memref<16384xf32, #tpu.memory_space<vmem>>, vector<16xf32>,
      %add3A_393 = arith.addf %add3A_353, %get3A_392 : vector<16xf32>
      %add3A_394 = arith.constant 880 : i32
      %add3A_395 = arith.addi %mul3A_119, %add3A_394 : i32
      %get3A_396 = arith.index_cast %add3A_395 : i32 to index
      %get3A_397 = tpu.vector_load %arg4[%get3A_396] {strides = array<i32>} : memref<16384xf32, #tpu.memory_space<vmem>>, vector<16xf32>,
      %add3A_398 = arith.addf %add3A_358, %get3A_397 : vector<16xf32>
      %add3A_399 = arith.constant 896 : i32
      %add3A_400 = arith.addi %mul3A_119, %add3A_399 : i32
      %get3A_401 = arith.index_cast %add3A_400 : i32 to index
      %get3A_402 = tpu.vector_load %arg4[%get3A_401] {strides = array<i32>} : memref<16384xf32, #tpu.memory_space<vmem>>, vector<16xf32>,
      %add3A_403 = arith.addf %add3A_363, %get3A_402 : vector<16xf32>
      %add3A_404 = arith.constant 912 : i32
      %add3A_405 = arith.addi %mul3A_119, %add3A_404 : i32
      %get3A_406 = arith.index_cast %add3A_405 : i32 to index
      %get3A_407 = tpu.vector_load %arg4[%get3A_406] {strides = array<i32>} : memref<16384xf32, #tpu.memory_space<vmem>>, vector<16xf32>,
      %add3A_408 = arith.addf %add3A_368, %get3A_407 : vector<16xf32>
      %add3A_409 = arith.constant 928 : i32
      %add3A_410 = arith.addi %mul3A_119, %add3A_409 : i32
      %get3A_411 = arith.index_cast %add3A_410 : i32 to index
      %get3A_412 = tpu.vector_load %arg4[%get3A_411] {strides = array<i32>} : memref<16384xf32, #tpu.memory_space<vmem>>, vector<16xf32>,
      %add3A_413 = arith.addf %add3A_373, %get3A_412 : vector<16xf32>
      %add3A_414 = arith.constant 944 : i32
      %add3A_415 = arith.addi %mul3A_119, %add3A_414 : i32
      %get3A_416 = arith.index_cast %add3A_415 : i32 to index
      %get3A_417 = tpu.vector_load %arg4[%get3A_416] {strides = array<i32>} : memref<16384xf32, #tpu.memory_space<vmem>>, vector<16xf32>,
      %add3A_418 = arith.addf %add3A_378, %get3A_417 : vector<16xf32>
      %add3A_419 = arith.constant 960 : i32
      %add3A_420 = arith.addi %mul3A_119, %add3A_419 : i32
      %get3A_421 = arith.index_cast %add3A_420 : i32 to index
      %get3A_422 = tpu.vector_load %arg4[%get3A_421] {strides = array<i32>} : memref<16384xf32, #tpu.memory_space<vmem>>, vector<16xf32>,
      %add3A_423 = arith.addf %add3A_383, %get3A_422 : vector<16xf32>
      %add3A_424 = arith.constant 976 : i32
      %add3A_425 = arith.addi %mul3A_119, %add3A_424 : i32
      %get3A_426 = arith.index_cast %add3A_425 : i32 to index
      %get3A_427 = tpu.vector_load %arg4[%get3A_426] {strides = array<i32>} : memref<16384xf32, #tpu.memory_space<vmem>>, vector<16xf32>,
      %add3A_428 = arith.addf %add3A_388, %get3A_427 : vector<16xf32>
      %add3A_429 = arith.constant 992 : i32
      %add3A_430 = arith.addi %mul3A_119, %add3A_429 : i32
      %get3A_431 = arith.index_cast %add3A_430 : i32 to index
      %get3A_432 = tpu.vector_load %arg4[%get3A_431] {strides = array<i32>} : memref<16384xf32, #tpu.memory_space<vmem>>, vector<16xf32>,
      %add3A_433 = arith.addf %add3A_393, %get3A_432 : vector<16xf32>
      %add3A_434 = arith.constant 1008 : i32
      %add3A_435 = arith.addi %mul3A_119, %add3A_434 : i32
      %get3A_436 = arith.index_cast %add3A_435 : i32 to index
      %get3A_437 = tpu.vector_load %arg4[%get3A_436] {strides = array<i32>} : memref<16384xf32, #tpu.memory_space<vmem>>, vector<16xf32>,
      %add3A_438 = arith.addf %add3A_398, %get3A_437 : vector<16xf32>
      scf.yield %add3A_403, %add3A_408, %add3A_413, %add3A_418, %add3A_423, %add3A_428, %add3A_433, %add3A_438 : vector<16xf32>, vector<16xf32>, vector<16xf32>, vector<16xf32>, vector<16xf32>, vector<16xf32>, vector<16xf32>, vector<16xf32>
    }
    %scan3A_60 = arith.constant 16 : i32
    %add3A = arith.addf %scan3A_59#0, %scan3A_59#1 : vector<16xf32>
    %add3A_61 = arith.addf %scan3A_59#2, %scan3A_59#3 : vector<16xf32>
    %add3A_62 = arith.addf %add3A, %add3A_61 : vector<16xf32>
    %add3A_63 = arith.addf %scan3A_59#4, %scan3A_59#5 : vector<16xf32>
    %add3A_64 = arith.addf %scan3A_59#6, %scan3A_59#7 : vector<16xf32>
    %add3A_65 = arith.addf %add3A_63, %add3A_64 : vector<16xf32>
    %add3A_66 = arith.addf %add3A_62, %add3A_65 : vector<16xf32>
    %bitcast3A = vector.bitcast %add3A_66 : vector<16xf32> to vector<16xi32>
    %shift_right_logical3A = arith.constant 23 : i32
    %shift_right_logical3A_67 = vector.broadcast %shift_right_logical3A : i32 to vector<16xi32>
    %shift_right_logical3A_68 = arith.shrui %bitcast3A, %shift_right_logical3A_67 : vector<16xi32>
    %and3A = arith.constant 255 : i32
    %and3A_69 = vector.broadcast %and3A : i32 to vector<16xi32>
    %and3A_70 = arith.andi %shift_right_logical3A_68, %and3A_69 : vector<16xi32>
    %and3A_71 = arith.constant 8388607 : i32
    %and3A_72 = vector.broadcast %and3A_71 : i32 to vector<16xi32>
    %and3A_73 = arith.andi %bitcast3A, %and3A_72 : vector<16xi32>
    %eq3A_74 = arith.constant 255 : i32
    %eq3A_75 = vector.broadcast %eq3A_74 : i32 to vector<16xi32>
    %eq3A_76 = arith.cmpi eq, %and3A_70, %eq3A_75 : vector<16xi32>
    %ne3A = arith.constant 0 : i32
    %ne3A_77 = vector.broadcast %ne3A : i32 to vector<16xi32>
    %ne3A_78 = arith.cmpi ne, %and3A_73, %ne3A_77 : vector<16xi32>
    %and3A_79 = arith.andi %eq3A_76, %ne3A_78 : vector<16xi1>
    %jit3A = arith.constant 1 : i32
    %jit3A_80 = arith.constant 0 : i32
    %broadcast_in_dim3A_81 = vector.broadcast %jit3A : i32 to vector<16xi32>
    %broadcast_in_dim3A_82 = vector.broadcast %jit3A_80 : i32 to vector<16xi32>
    %select_n3A = arith.select %and3A_79, %broadcast_in_dim3A_81, %broadcast_in_dim3A_82 : vector<16xi1>, vector<16xi32>
    %reduce_sum3A = arith.constant true
    %reduce_sum3A_83 = vector.broadcast %reduce_sum3A : i1 to vector<16xi1>
    %reduce_sum3A_84 = tpu.scan <sum>, %select_n3A masked %reduce_sum3A_83 : vector<16xi32>, vector<16xi1> -> vector<16xi32>
    %reduce_sum3A_85 = vector.extract %reduce_sum3A_84[15] : i32 from vector<16xi32>
    %broadcast_in_dim3A_86 = vector.broadcast %reduce_sum3A_85 : i32 to vector<16xi32>
    %swap3A = arith.constant 0 : index
    %swap3A_87 = tpu.vector_load %arg6[%swap3A] {strides = array<i32>} : memref<16xi32, #tpu.memory_space<vmem>>, vector<16xi32>,
    tpu.vector_store %arg6[%swap3A], %broadcast_in_dim3A_86 {strides = array<i32>} : memref<16xi32, #tpu.memory_space<vmem>>, vector<16xi32>,
    "tpu.region"() ({
      %run_scoped3A = tpu.sem_alloc : memref<!tpu.dma_semaphore, #tpu.memory_space<semaphore_mem>>
      %dma_start3A_109 = arith.constant 0 : i32
      %dma_start3A_110 = tpu.memref_slice %arg7[%arg1, %dma_start3A_109] : memref<16x16xi32, #tpu.memory_space<vmem_shared>> -> memref<1x16xi32, #tpu.memory_space<vmem_shared>>
      %dma_start3A_111 = tpu.memref_squeeze %dma_start3A_110 : memref<1x16xi32, #tpu.memory_space<vmem_shared>> -> memref<16xi32, #tpu.memory_space<vmem_shared>>
      %dma_start3A_112 = arith.constant 0 : i32
      %dma_start3A_113 = tpu.memref_slice %arg7[%arg1, %dma_start3A_112] : memref<16x16xi32, #tpu.memory_space<vmem_shared>> -> memref<1x16xi32, #tpu.memory_space<vmem_shared>>
      %dma_start3A_114 = tpu.memref_squeeze %dma_start3A_113 : memref<1x16xi32, #tpu.memory_space<vmem_shared>> -> memref<16xi32, #tpu.memory_space<vmem_shared>>
      tpu.enqueue_dma source(%arg6 : memref<16xi32, #tpu.memory_space<vmem>>) target(%dma_start3A_114 : memref<16xi32, #tpu.memory_space<vmem_shared>>) target_semaphore(%run_scoped3A : memref<!tpu.dma_semaphore, #tpu.memory_space<semaphore_mem>>)
      %dma_wait3A_115 = arith.constant 0 : i32
      %dma_wait3A_116 = tpu.memref_slice %arg7[%arg1, %dma_wait3A_115] : memref<16x16xi32, #tpu.memory_space<vmem_shared>> -> memref<1x16xi32, #tpu.memory_space<vmem_shared>>
      %dma_wait3A_117 = tpu.memref_squeeze %dma_wait3A_116 : memref<1x16xi32, #tpu.memory_space<vmem_shared>> -> memref<16xi32, #tpu.memory_space<vmem_shared>>
      %dma_wait3A_118 = arith.constant 0 : i32
      %dma_wait3A_119 = tpu.memref_slice %arg7[%arg1, %dma_wait3A_118] : memref<16x16xi32, #tpu.memory_space<vmem_shared>> -> memref<1x16xi32, #tpu.memory_space<vmem_shared>>
      %dma_wait3A_120 = tpu.memref_squeeze %dma_wait3A_119 : memref<1x16xi32, #tpu.memory_space<vmem_shared>> -> memref<16xi32, #tpu.memory_space<vmem_shared>>
      tpu.wait_dma2 semaphore(%run_scoped3A : memref<!tpu.dma_semaphore, #tpu.memory_space<semaphore_mem>>) src(%arg6 : memref<16xi32, #tpu.memory_space<vmem>>) dst(%dma_wait3A_120 : memref<16xi32, #tpu.memory_space<vmem_shared>>)
      tpu.yield
    }) : () -> ()
    %barrier3A = arith.constant 0 : index
    tpu.barrier barrier_id(%barrier3A)
    "tpu.region"() ({
      %run_scoped3A = tpu.sem_alloc : memref<!tpu.dma_semaphore, #tpu.memory_space<semaphore_mem>>
      tpu.enqueue_dma source(%arg7 : memref<16x16xi32, #tpu.memory_space<vmem_shared>>) target(%arg8 : memref<16x16xi32, #tpu.memory_space<vmem>>) target_semaphore(%run_scoped3A : memref<!tpu.dma_semaphore, #tpu.memory_space<semaphore_mem>>)
      tpu.wait_dma2 semaphore(%run_scoped3A : memref<!tpu.dma_semaphore, #tpu.memory_space<semaphore_mem>>) src(%arg7 : memref<16x16xi32, #tpu.memory_space<vmem_shared>>) dst(%arg8 : memref<16x16xi32, #tpu.memory_space<vmem>>)
      tpu.yield
    }) : () -> ()
    %scan3A_88 = arith.constant 0 : i32
    %scan3A_89 = arith.constant 16 : i32
    %scan3A_90 = arith.addi %scan3A_88, %scan3A_89 : i32
    %scan3A_91 = arith.constant 1 : i32
    %scan3A_92 = scf.for %scan3A_109 = %scan3A_88 to %scan3A_90 step %scan3A_91 iter_args(%scan3A_110 = %broadcast_in_dim3A_2) -> (vector<16xi32>)  : i32 {
      %get3A = arith.index_cast %scan3A_109 : i32 to index
      %get3A_111 = arith.constant 0 : index
      %get3A_112 = tpu.vector_load %arg8[%get3A, %get3A_111] {strides = array<i32>} : memref<16x16xi32, #tpu.memory_space<vmem>>, vector<16xi32>,
      %add3A_113 = arith.addi %scan3A_110, %get3A_112 : vector<16xi32>
      scf.yield %add3A_113 : vector<16xi32>
    }
    %scan3A_93 = arith.constant 16 : i32
    %eq3A_94 = arith.constant 0 : i32
    %eq3A_95 = vector.broadcast %eq3A_94 : i32 to vector<16xi32>
    %eq3A_96 = arith.cmpi eq, %iota3A, %eq3A_95 : vector<16xi32>
    %jit3A_97 = arith.constant 0 : i32
    %broadcast_in_dim3A_98 = vector.broadcast %jit3A_97 : i32 to vector<16xi32>
    %select_n3A_99 = arith.select %eq3A_96, %scan3A_92, %broadcast_in_dim3A_98 : vector<16xi1>, vector<16xi32>
    %reduce_sum3A_100 = arith.constant true
    %reduce_sum3A_101 = vector.broadcast %reduce_sum3A_100 : i1 to vector<16xi1>
    %reduce_sum3A_102 = tpu.scan <sum>, %select_n3A_99 masked %reduce_sum3A_101 : vector<16xi32>, vector<16xi1> -> vector<16xi32>
    %reduce_sum3A_103 = vector.extract %reduce_sum3A_102[15] : i32 from vector<16xi32>
    %ne3A_104 = arith.constant 0 : i32
    %ne3A_105 = arith.cmpi ne, %reduce_sum3A_103, %ne3A_104 : i32
    %convert_element_type3A_106 = arith.extui %ne3A_105 : i1 to i32
    %cond3A_107 = arith.constant 0 : i32
    %cond3A_108 = arith.cmpi ne, %convert_element_type3A_106, %cond3A_107 : i32
    scf.if %cond3A_108 {
      %scan3A_109 = arith.constant 0 : i32
      %scan3A_110 = arith.constant 16 : i32
      %scan3A_111 = arith.addi %scan3A_109, %scan3A_110 : i32
      %scan3A_112 = arith.constant 1 : i32
      %scan3A_113 = scf.for %scan3A_228 = %scan3A_109 to %scan3A_111 step %scan3A_112 iter_args(%scan3A_229 = %broadcast_in_dim3A_2) -> (vector<16xi32>)  : i32 {
        %scan3A_230 = arith.constant 0 : i32
        %scan3A_231 = arith.constant 16 : i32
        %scan3A_232 = arith.addi %scan3A_230, %scan3A_231 : i32
        %scan3A_233 = arith.constant 1 : i32
        %scan3A_234 = scf.for %scan3A_241 = %scan3A_230 to %scan3A_232 step %scan3A_233 iter_args(%scan3A_242 = %broadcast_in_dim3A_2) -> (vector<16xi32>)  : i32 {
          %mul3A_243 = arith.constant 16 : i32
          %mul3A_244 = arith.muli %scan3A_228, %mul3A_243 : i32
          %add3A_245 = arith.addi %mul3A_244, %scan3A_241 : i32
          %mul3A_246 = arith.constant 64 : i32
          %mul3A_247 = arith.muli %add3A_245, %mul3A_246 : i32
          %get3A = arith.index_cast %mul3A_247 : i32 to index
          %get3A_248 = tpu.vector_load %arg4[%get3A] {strides = array<i32>} : memref<16384xf32, #tpu.memory_space<vmem>>, vector<16xf32>,
          %add3A_249 = arith.constant 16 : i32
          %add3A_250 = arith.addi %mul3A_247, %add3A_249 : i32
          %get3A_251 = arith.index_cast %add3A_250 : i32 to index
          %get3A_252 = tpu.vector_load %arg4[%get3A_251] {strides = array<i32>} : memref<16384xf32, #tpu.memory_space<vmem>>, vector<16xf32>,
          %add3A_253 = arith.addf %get3A_248, %get3A_252 : vector<16xf32>
          %add3A_254 = arith.constant 32 : i32
          %add3A_255 = arith.addi %mul3A_247, %add3A_254 : i32
          %get3A_256 = arith.index_cast %add3A_255 : i32 to index
          %get3A_257 = tpu.vector_load %arg4[%get3A_256] {strides = array<i32>} : memref<16384xf32, #tpu.memory_space<vmem>>, vector<16xf32>,
          %add3A_258 = arith.addf %add3A_253, %get3A_257 : vector<16xf32>
          %add3A_259 = arith.constant 48 : i32
          %add3A_260 = arith.addi %mul3A_247, %add3A_259 : i32
          %get3A_261 = arith.index_cast %add3A_260 : i32 to index
          %get3A_262 = tpu.vector_load %arg4[%get3A_261] {strides = array<i32>} : memref<16384xf32, #tpu.memory_space<vmem>>, vector<16xf32>,
          %add3A_263 = arith.addf %add3A_258, %get3A_262 : vector<16xf32>
          %bitcast3A_264 = vector.bitcast %add3A_263 : vector<16xf32> to vector<16xi32>
          %shift_right_logical3A_265 = arith.constant 23 : i32
          %shift_right_logical3A_266 = vector.broadcast %shift_right_logical3A_265 : i32 to vector<16xi32>
          %shift_right_logical3A_267 = arith.shrui %bitcast3A_264, %shift_right_logical3A_266 : vector<16xi32>
          %and3A_268 = arith.constant 255 : i32
          %and3A_269 = vector.broadcast %and3A_268 : i32 to vector<16xi32>
          %and3A_270 = arith.andi %shift_right_logical3A_267, %and3A_269 : vector<16xi32>
          %and3A_271 = arith.constant 8388607 : i32
          %and3A_272 = vector.broadcast %and3A_271 : i32 to vector<16xi32>
          %and3A_273 = arith.andi %bitcast3A_264, %and3A_272 : vector<16xi32>
          %eq3A_274 = arith.constant 255 : i32
          %eq3A_275 = vector.broadcast %eq3A_274 : i32 to vector<16xi32>
          %eq3A_276 = arith.cmpi eq, %and3A_270, %eq3A_275 : vector<16xi32>
          %ne3A_277 = arith.constant 0 : i32
          %ne3A_278 = vector.broadcast %ne3A_277 : i32 to vector<16xi32>
          %ne3A_279 = arith.cmpi ne, %and3A_273, %ne3A_278 : vector<16xi32>
          %and3A_280 = arith.andi %eq3A_276, %ne3A_279 : vector<16xi1>
          %jit3A_281 = arith.constant 1 : i32
          %jit3A_282 = arith.constant 0 : i32
          %broadcast_in_dim3A_283 = vector.broadcast %jit3A_281 : i32 to vector<16xi32>
          %broadcast_in_dim3A_284 = vector.broadcast %jit3A_282 : i32 to vector<16xi32>
          %select_n3A_285 = arith.select %and3A_280, %broadcast_in_dim3A_283, %broadcast_in_dim3A_284 : vector<16xi1>, vector<16xi32>
          %reduce_sum3A_286 = arith.constant true
          %reduce_sum3A_287 = vector.broadcast %reduce_sum3A_286 : i1 to vector<16xi1>
          %reduce_sum3A_288 = tpu.scan <sum>, %select_n3A_285 masked %reduce_sum3A_287 : vector<16xi32>, vector<16xi1> -> vector<16xi32>
          %reduce_sum3A_289 = vector.extract %reduce_sum3A_288[15] : i32 from vector<16xi32>
          %eq3A_290 = vector.broadcast %scan3A_241 : i32 to vector<16xi32>
          %eq3A_291 = arith.cmpi eq, %iota3A, %eq3A_290 : vector<16xi32>
          %min3A = arith.constant 1 : i32
          %min3A_292 = arith.minsi %reduce_sum3A_289, %min3A : i32
          %jit3A_293 = arith.constant 0 : i32
          %broadcast_in_dim3A_294 = vector.broadcast %min3A_292 : i32 to vector<16xi32>
          %broadcast_in_dim3A_295 = vector.broadcast %jit3A_293 : i32 to vector<16xi32>
          %select_n3A_296 = arith.select %eq3A_291, %broadcast_in_dim3A_294, %broadcast_in_dim3A_295 : vector<16xi1>, vector<16xi32>
          %add3A_297 = arith.addi %scan3A_242, %select_n3A_296 : vector<16xi32>
          scf.yield %add3A_297 : vector<16xi32>
        }
        %scan3A_235 = arith.constant 16 : i32
        %mul3A_236 = arith.constant 16 : i32
        %mul3A_237 = arith.muli %scan3A_228, %mul3A_236 : i32
        %swap3A_238 = arith.index_cast %mul3A_237 : i32 to index
        %swap3A_239 = tpu.vector_load %arg5[%swap3A_238] {strides = array<i32>} : memref<256xi32, #tpu.memory_space<vmem>>, vector<16xi32>,
        tpu.vector_store %arg5[%swap3A_238], %scan3A_234 {strides = array<i32>} : memref<256xi32, #tpu.memory_space<vmem>>, vector<16xi32>,
        %add3A_240 = arith.addi %scan3A_229, %scan3A_234 : vector<16xi32>
        scf.yield %add3A_240 : vector<16xi32>
      }
      %scan3A_114 = arith.constant 16 : i32
      %reduce_sum3A_115 = arith.constant true
      %reduce_sum3A_116 = vector.broadcast %reduce_sum3A_115 : i1 to vector<16xi1>
      %reduce_sum3A_117 = tpu.scan <sum>, %scan3A_113 masked %reduce_sum3A_116 : vector<16xi32>, vector<16xi1> -> vector<16xi32>
      %reduce_sum3A_118 = vector.extract %reduce_sum3A_117[15] : i32 from vector<16xi32>
      %sub3A = arith.constant 256 : i32
      %sub3A_119 = arith.subi %sub3A, %reduce_sum3A_118 : i32
      %broadcast_in_dim3A_120 = vector.broadcast %sub3A_119 : i32 to vector<16xi32>
      %swap3A_121 = arith.constant 0 : index
      %swap3A_122 = tpu.vector_load %arg6[%swap3A_121] {strides = array<i32>} : memref<16xi32, #tpu.memory_space<vmem>>, vector<16xi32>,
      tpu.vector_store %arg6[%swap3A_121], %broadcast_in_dim3A_120 {strides = array<i32>} : memref<16xi32, #tpu.memory_space<vmem>>, vector<16xi32>,
      "tpu.region"() ({
        %run_scoped3A = tpu.sem_alloc : memref<!tpu.dma_semaphore, #tpu.memory_space<semaphore_mem>>
        %dma_start3A_228 = arith.constant 0 : i32
        %dma_start3A_229 = tpu.memref_slice %arg7[%arg1, %dma_start3A_228] : memref<16x16xi32, #tpu.memory_space<vmem_shared>> -> memref<1x16xi32, #tpu.memory_space<vmem_shared>>
        %dma_start3A_230 = tpu.memref_squeeze %dma_start3A_229 : memref<1x16xi32, #tpu.memory_space<vmem_shared>> -> memref<16xi32, #tpu.memory_space<vmem_shared>>
        %dma_start3A_231 = arith.constant 0 : i32
        %dma_start3A_232 = tpu.memref_slice %arg7[%arg1, %dma_start3A_231] : memref<16x16xi32, #tpu.memory_space<vmem_shared>> -> memref<1x16xi32, #tpu.memory_space<vmem_shared>>
        %dma_start3A_233 = tpu.memref_squeeze %dma_start3A_232 : memref<1x16xi32, #tpu.memory_space<vmem_shared>> -> memref<16xi32, #tpu.memory_space<vmem_shared>>
        tpu.enqueue_dma source(%arg6 : memref<16xi32, #tpu.memory_space<vmem>>) target(%dma_start3A_233 : memref<16xi32, #tpu.memory_space<vmem_shared>>) target_semaphore(%run_scoped3A : memref<!tpu.dma_semaphore, #tpu.memory_space<semaphore_mem>>)
        %dma_wait3A_234 = arith.constant 0 : i32
        %dma_wait3A_235 = tpu.memref_slice %arg7[%arg1, %dma_wait3A_234] : memref<16x16xi32, #tpu.memory_space<vmem_shared>> -> memref<1x16xi32, #tpu.memory_space<vmem_shared>>
        %dma_wait3A_236 = tpu.memref_squeeze %dma_wait3A_235 : memref<1x16xi32, #tpu.memory_space<vmem_shared>> -> memref<16xi32, #tpu.memory_space<vmem_shared>>
        %dma_wait3A_237 = arith.constant 0 : i32
        %dma_wait3A_238 = tpu.memref_slice %arg7[%arg1, %dma_wait3A_237] : memref<16x16xi32, #tpu.memory_space<vmem_shared>> -> memref<1x16xi32, #tpu.memory_space<vmem_shared>>
        %dma_wait3A_239 = tpu.memref_squeeze %dma_wait3A_238 : memref<1x16xi32, #tpu.memory_space<vmem_shared>> -> memref<16xi32, #tpu.memory_space<vmem_shared>>
        tpu.wait_dma2 semaphore(%run_scoped3A : memref<!tpu.dma_semaphore, #tpu.memory_space<semaphore_mem>>) src(%arg6 : memref<16xi32, #tpu.memory_space<vmem>>) dst(%dma_wait3A_239 : memref<16xi32, #tpu.memory_space<vmem_shared>>)
        tpu.yield
      }) : () -> ()
      %barrier3A_123 = arith.constant 0 : index
      tpu.barrier barrier_id(%barrier3A_123)
      "tpu.region"() ({
        %run_scoped3A = tpu.sem_alloc : memref<!tpu.dma_semaphore, #tpu.memory_space<semaphore_mem>>
        tpu.enqueue_dma source(%arg7 : memref<16x16xi32, #tpu.memory_space<vmem_shared>>) target(%arg8 : memref<16x16xi32, #tpu.memory_space<vmem>>) target_semaphore(%run_scoped3A : memref<!tpu.dma_semaphore, #tpu.memory_space<semaphore_mem>>)
        tpu.wait_dma2 semaphore(%run_scoped3A : memref<!tpu.dma_semaphore, #tpu.memory_space<semaphore_mem>>) src(%arg7 : memref<16x16xi32, #tpu.memory_space<vmem_shared>>) dst(%arg8 : memref<16x16xi32, #tpu.memory_space<vmem>>)
        tpu.yield
      }) : () -> ()
      %scan3A_124 = arith.constant 0 : i32
      %scan3A_125 = arith.constant 16 : i32
      %scan3A_126 = arith.addi %scan3A_124, %scan3A_125 : i32
      %scan3A_127 = arith.constant 1 : i32
      %scan3A_128:2 = scf.for %scan3A_228 = %scan3A_124 to %scan3A_126 step %scan3A_127 iter_args(%scan3A_229 = %broadcast_in_dim3A_2, %scan3A_230 = %broadcast_in_dim3A_2) -> (vector<16xi32>, vector<16xi32>)  : i32 {
        %eq3A_231 = vector.broadcast %scan3A_228 : i32 to vector<16xi32>
        %eq3A_232 = arith.cmpi eq, %broadcast_in_dim3A, %eq3A_231 : vector<16xi32>
        %select_n3A_233 = arith.select %eq3A_232, %scan3A_230, %scan3A_229 : vector<16xi1>, vector<16xi32>
        %get3A = arith.index_cast %scan3A_228 : i32 to index
        %get3A_234 = arith.constant 0 : index
        %get3A_235 = tpu.vector_load %arg8[%get3A, %get3A_234] {strides = array<i32>} : memref<16x16xi32, #tpu.memory_space<vmem>>, vector<16xi32>,
        %add3A_236 = arith.addi %scan3A_230, %get3A_235 : vector<16xi32>
        scf.yield %select_n3A_233, %add3A_236 : vector<16xi32>, vector<16xi32>
      }
      %scan3A_129 = arith.constant 16 : i32
      %add3A_130 = vector.broadcast %mul3A_0 : i32 to vector<16xi32>
      %add3A_131 = arith.addi %scan3A_128#1, %add3A_130 : vector<16xi32>
      %sub3A_132 = arith.subi %add3A_131, %scan3A_128#0 : vector<16xi32>
      %scan3A_133 = arith.constant 0 : i32
      %scan3A_134 = arith.constant 16 : i32
      %scan3A_135 = arith.addi %scan3A_133, %scan3A_134 : i32
      %scan3A_136 = arith.constant 1 : i32
      %scan3A_137:11 = scf.for %scan3A_228 = %scan3A_133 to %scan3A_135 step %scan3A_136 iter_args(%scan3A_229 = %broadcast_in_dim3A_2, %scan3A_230 = %broadcast_in_dim3A_2, %scan3A_231 = %broadcast_in_dim3A_2, %scan3A_232 = %broadcast_in_dim3A_2, %scan3A_233 = %broadcast_in_dim3A_2, %scan3A_234 = %broadcast_in_dim3A_2, %scan3A_235 = %broadcast_in_dim3A_2, %scan3A_236 = %broadcast_in_dim3A_2, %scan3A_237 = %broadcast_in_dim3A_2, %scan3A_238 = %broadcast_in_dim3A_2, %scan3A_239 = %broadcast_in_dim3A_2) -> (vector<16xi32>, vector<16xi32>, vector<16xi32>, vector<16xi32>, vector<16xi32>, vector<16xi32>, vector<16xi32>, vector<16xi32>, vector<16xi32>, vector<16xi32>, vector<16xi32>)  : i32 {
        %mul3A_240 = arith.constant 16 : i32
        %mul3A_241 = arith.muli %scan3A_228, %mul3A_240 : i32
        %get3A = arith.index_cast %mul3A_241 : i32 to index
        %get3A_242 = tpu.vector_load %arg5[%get3A] {strides = array<i32>} : memref<256xi32, #tpu.memory_space<vmem>>, vector<16xi32>,
        %sub3A_243 = arith.constant 1 : i32
        %sub3A_244 = vector.broadcast %sub3A_243 : i32 to vector<16xi32>
        %sub3A_245 = arith.subi %sub3A_244, %get3A_242 : vector<16xi32>
        %broadcast_in_dim3A_246 = arith.constant true
        %broadcast_in_dim3A_247 = vector.broadcast %broadcast_in_dim3A_246 : i1 to vector<16xi1>
        %masked_cumsum3A = tpu.scan <sum>, %sub3A_245 masked %broadcast_in_dim3A_247 : vector<16xi32>, vector<16xi1> -> vector<16xi32>
        %sub3A_248 = arith.subi %masked_cumsum3A, %sub3A_245 : vector<16xi32>
        %add3A_249 = arith.addi %scan3A_229, %sub3A_248 : vector<16xi32>
        %mul3A_250 = arith.constant 16 : i32
        %mul3A_251 = arith.muli %scan3A_228, %mul3A_250 : i32
        %add3A_252 = vector.broadcast %mul3A_251 : i32 to vector<16xi32>
        %add3A_253 = arith.addi %add3A_252, %iota3A : vector<16xi32>
        %sub3A_254 = arith.subi %add3A_253, %add3A_249 : vector<16xi32>
        %eq3A_255 = arith.constant 1 : i32
        %eq3A_256 = vector.broadcast %eq3A_255 : i32 to vector<16xi32>
        %eq3A_257 = arith.cmpi eq, %get3A_242, %eq3A_256 : vector<16xi32>
        %add3A_258 = arith.addi %sub3A_132, %sub3A_254 : vector<16xi32>
        %add3A_259 = arith.addi %scan3A_128#0, %add3A_249 : vector<16xi32>
        %select_n3A_260 = arith.select %eq3A_257, %add3A_258, %add3A_259 : vector<16xi1>, vector<16xi32>
        %eq3A_261 = arith.constant 0 : i32
        %eq3A_262 = vector.broadcast %eq3A_261 : i32 to vector<16xi32>
        %eq3A_263 = arith.cmpi eq, %select_n3A_260, %eq3A_262 : vector<16xi32>
        %add3A_264 = arith.constant 1 : i32
        %add3A_265 = vector.broadcast %add3A_264 : i32 to vector<16xi32>
        %add3A_266 = arith.addi %add3A_253, %add3A_265 : vector<16xi32>
        %jit3A_267 = arith.constant 0 : i32
        %broadcast_in_dim3A_268 = vector.broadcast %jit3A_267 : i32 to vector<16xi32>
        %select_n3A_269 = arith.select %eq3A_263, %add3A_266, %broadcast_in_dim3A_268 : vector<16xi1>, vector<16xi32>
        %add3A_270 = arith.addi %scan3A_230, %select_n3A_269 : vector<16xi32>
        %eq3A_271 = arith.constant 409 : i32
        %eq3A_272 = vector.broadcast %eq3A_271 : i32 to vector<16xi32>
        %eq3A_273 = arith.cmpi eq, %select_n3A_260, %eq3A_272 : vector<16xi32>
        %add3A_274 = arith.constant 1 : i32
        %add3A_275 = vector.broadcast %add3A_274 : i32 to vector<16xi32>
        %add3A_276 = arith.addi %add3A_253, %add3A_275 : vector<16xi32>
        %jit3A_277 = arith.constant 0 : i32
        %broadcast_in_dim3A_278 = vector.broadcast %jit3A_277 : i32 to vector<16xi32>
        %select_n3A_279 = arith.select %eq3A_273, %add3A_276, %broadcast_in_dim3A_278 : vector<16xi1>, vector<16xi32>
        %add3A_280 = arith.addi %scan3A_231, %select_n3A_279 : vector<16xi32>
        %eq3A_281 = arith.constant 818 : i32
        %eq3A_282 = vector.broadcast %eq3A_281 : i32 to vector<16xi32>
        %eq3A_283 = arith.cmpi eq, %select_n3A_260, %eq3A_282 : vector<16xi32>
        %add3A_284 = arith.constant 1 : i32
        %add3A_285 = vector.broadcast %add3A_284 : i32 to vector<16xi32>
        %add3A_286 = arith.addi %add3A_253, %add3A_285 : vector<16xi32>
        %jit3A_287 = arith.constant 0 : i32
        %broadcast_in_dim3A_288 = vector.broadcast %jit3A_287 : i32 to vector<16xi32>
        %select_n3A_289 = arith.select %eq3A_283, %add3A_286, %broadcast_in_dim3A_288 : vector<16xi1>, vector<16xi32>
        %add3A_290 = arith.addi %scan3A_232, %select_n3A_289 : vector<16xi32>
        %eq3A_291 = arith.constant 1227 : i32
        %eq3A_292 = vector.broadcast %eq3A_291 : i32 to vector<16xi32>
        %eq3A_293 = arith.cmpi eq, %select_n3A_260, %eq3A_292 : vector<16xi32>
        %add3A_294 = arith.constant 1 : i32
        %add3A_295 = vector.broadcast %add3A_294 : i32 to vector<16xi32>
        %add3A_296 = arith.addi %add3A_253, %add3A_295 : vector<16xi32>
        %jit3A_297 = arith.constant 0 : i32
        %broadcast_in_dim3A_298 = vector.broadcast %jit3A_297 : i32 to vector<16xi32>
        %select_n3A_299 = arith.select %eq3A_293, %add3A_296, %broadcast_in_dim3A_298 : vector<16xi1>, vector<16xi32>
        %add3A_300 = arith.addi %scan3A_233, %select_n3A_299 : vector<16xi32>
        %eq3A_301 = arith.constant 1636 : i32
        %eq3A_302 = vector.broadcast %eq3A_301 : i32 to vector<16xi32>
        %eq3A_303 = arith.cmpi eq, %select_n3A_260, %eq3A_302 : vector<16xi32>
        %add3A_304 = arith.constant 1 : i32
        %add3A_305 = vector.broadcast %add3A_304 : i32 to vector<16xi32>
        %add3A_306 = arith.addi %add3A_253, %add3A_305 : vector<16xi32>
        %jit3A_307 = arith.constant 0 : i32
        %broadcast_in_dim3A_308 = vector.broadcast %jit3A_307 : i32 to vector<16xi32>
        %select_n3A_309 = arith.select %eq3A_303, %add3A_306, %broadcast_in_dim3A_308 : vector<16xi1>, vector<16xi32>
        %add3A_310 = arith.addi %scan3A_234, %select_n3A_309 : vector<16xi32>
        %eq3A_311 = arith.constant 2045 : i32
        %eq3A_312 = vector.broadcast %eq3A_311 : i32 to vector<16xi32>
        %eq3A_313 = arith.cmpi eq, %select_n3A_260, %eq3A_312 : vector<16xi32>
        %add3A_314 = arith.constant 1 : i32
        %add3A_315 = vector.broadcast %add3A_314 : i32 to vector<16xi32>
        %add3A_316 = arith.addi %add3A_253, %add3A_315 : vector<16xi32>
        %jit3A_317 = arith.constant 0 : i32
        %broadcast_in_dim3A_318 = vector.broadcast %jit3A_317 : i32 to vector<16xi32>
        %select_n3A_319 = arith.select %eq3A_313, %add3A_316, %broadcast_in_dim3A_318 : vector<16xi1>, vector<16xi32>
        %add3A_320 = arith.addi %scan3A_235, %select_n3A_319 : vector<16xi32>
        %eq3A_321 = arith.constant 2454 : i32
        %eq3A_322 = vector.broadcast %eq3A_321 : i32 to vector<16xi32>
        %eq3A_323 = arith.cmpi eq, %select_n3A_260, %eq3A_322 : vector<16xi32>
        %add3A_324 = arith.constant 1 : i32
        %add3A_325 = vector.broadcast %add3A_324 : i32 to vector<16xi32>
        %add3A_326 = arith.addi %add3A_253, %add3A_325 : vector<16xi32>
        %jit3A_327 = arith.constant 0 : i32
        %broadcast_in_dim3A_328 = vector.broadcast %jit3A_327 : i32 to vector<16xi32>
        %select_n3A_329 = arith.select %eq3A_323, %add3A_326, %broadcast_in_dim3A_328 : vector<16xi1>, vector<16xi32>
        %add3A_330 = arith.addi %scan3A_236, %select_n3A_329 : vector<16xi32>
        %eq3A_331 = arith.constant 2863 : i32
        %eq3A_332 = vector.broadcast %eq3A_331 : i32 to vector<16xi32>
        %eq3A_333 = arith.cmpi eq, %select_n3A_260, %eq3A_332 : vector<16xi32>
        %add3A_334 = arith.constant 1 : i32
        %add3A_335 = vector.broadcast %add3A_334 : i32 to vector<16xi32>
        %add3A_336 = arith.addi %add3A_253, %add3A_335 : vector<16xi32>
        %jit3A_337 = arith.constant 0 : i32
        %broadcast_in_dim3A_338 = vector.broadcast %jit3A_337 : i32 to vector<16xi32>
        %select_n3A_339 = arith.select %eq3A_333, %add3A_336, %broadcast_in_dim3A_338 : vector<16xi1>, vector<16xi32>
        %add3A_340 = arith.addi %scan3A_237, %select_n3A_339 : vector<16xi32>
        %eq3A_341 = arith.constant 3272 : i32
        %eq3A_342 = vector.broadcast %eq3A_341 : i32 to vector<16xi32>
        %eq3A_343 = arith.cmpi eq, %select_n3A_260, %eq3A_342 : vector<16xi32>
        %add3A_344 = arith.constant 1 : i32
        %add3A_345 = vector.broadcast %add3A_344 : i32 to vector<16xi32>
        %add3A_346 = arith.addi %add3A_253, %add3A_345 : vector<16xi32>
        %jit3A_347 = arith.constant 0 : i32
        %broadcast_in_dim3A_348 = vector.broadcast %jit3A_347 : i32 to vector<16xi32>
        %select_n3A_349 = arith.select %eq3A_343, %add3A_346, %broadcast_in_dim3A_348 : vector<16xi1>, vector<16xi32>
        %add3A_350 = arith.addi %scan3A_238, %select_n3A_349 : vector<16xi32>
        %eq3A_351 = arith.constant 3681 : i32
        %eq3A_352 = vector.broadcast %eq3A_351 : i32 to vector<16xi32>
        %eq3A_353 = arith.cmpi eq, %select_n3A_260, %eq3A_352 : vector<16xi32>
        %add3A_354 = arith.constant 1 : i32
        %add3A_355 = vector.broadcast %add3A_354 : i32 to vector<16xi32>
        %add3A_356 = arith.addi %add3A_253, %add3A_355 : vector<16xi32>
        %jit3A_357 = arith.constant 0 : i32
        %broadcast_in_dim3A_358 = vector.broadcast %jit3A_357 : i32 to vector<16xi32>
        %select_n3A_359 = arith.select %eq3A_353, %add3A_356, %broadcast_in_dim3A_358 : vector<16xi1>, vector<16xi32>
        %add3A_360 = arith.addi %scan3A_239, %select_n3A_359 : vector<16xi32>
        %eq3A_361 = arith.constant 1 : i32
        %eq3A_362 = vector.broadcast %eq3A_361 : i32 to vector<16xi32>
        %eq3A_363 = arith.cmpi eq, %sub3A_245, %eq3A_362 : vector<16xi32>
        %all_reduce_population_count3A = tpu.all_reduce %eq3A_363 {dim = 0 : i64, kind = #tpu.reduction_kind<sum>} : vector<16xi1> -> vector<16xi32>
        %add3A_364 = arith.addi %scan3A_229, %all_reduce_population_count3A : vector<16xi32>
        scf.yield %add3A_364, %add3A_270, %add3A_280, %add3A_290, %add3A_300, %add3A_310, %add3A_320, %add3A_330, %add3A_340, %add3A_350, %add3A_360 : vector<16xi32>, vector<16xi32>, vector<16xi32>, vector<16xi32>, vector<16xi32>, vector<16xi32>, vector<16xi32>, vector<16xi32>, vector<16xi32>, vector<16xi32>, vector<16xi32>
      }
      %scan3A_138 = arith.constant 16 : i32
      %reduce_sum3A_139 = arith.constant true
      %reduce_sum3A_140 = vector.broadcast %reduce_sum3A_139 : i1 to vector<16xi1>
      %reduce_sum3A_141 = tpu.scan <sum>, %scan3A_137#1 masked %reduce_sum3A_140 : vector<16xi32>, vector<16xi1> -> vector<16xi32>
      %reduce_sum3A_142 = vector.extract %reduce_sum3A_141[15] : i32 from vector<16xi32>
      %gt3A = arith.constant 0 : i32
      %gt3A_143 = arith.cmpi sgt, %reduce_sum3A_142, %gt3A : i32
      %convert_element_type3A_144 = arith.extui %gt3A_143 : i1 to i32
      %cond3A_145 = arith.constant 0 : i32
      %cond3A_146 = arith.cmpi ne, %convert_element_type3A_144, %cond3A_145 : i32
      scf.if %cond3A_146 {
        %add3A_228 = arith.addi %mul3A_0, %reduce_sum3A_142 : i32
        %sub3A_229 = arith.constant 1 : i32
        %sub3A_230 = arith.subi %add3A_228, %sub3A_229 : i32
        %mul3A_231 = arith.constant 64 : i32
        %mul3A_232 = arith.muli %sub3A_230, %mul3A_231 : i32
        "tpu.region"() ({
          %run_scoped3A_233 = tpu.sem_alloc : memref<!tpu.dma_semaphore, #tpu.memory_space<semaphore_mem>>
          %dma_start3A_234 = tpu.memref_slice %arg2[%mul3A_232] : memref<262144xf32, #tpu.memory_space<hbm>> -> memref<64xf32, #tpu.memory_space<hbm>>
          %dma_start3A_235 = tpu.memref_slice %arg2[%mul3A_232] : memref<262144xf32, #tpu.memory_space<hbm>> -> memref<64xf32, #tpu.memory_space<hbm>>
          tpu.enqueue_dma source(%dma_start3A_235 : memref<64xf32, #tpu.memory_space<hbm>>) target(%arg9 : memref<64xf32, #tpu.memory_space<vmem>>) target_semaphore(%run_scoped3A_233 : memref<!tpu.dma_semaphore, #tpu.memory_space<semaphore_mem>>)
          %dma_wait3A_236 = tpu.memref_slice %arg2[%mul3A_232] : memref<262144xf32, #tpu.memory_space<hbm>> -> memref<64xf32, #tpu.memory_space<hbm>>
          %dma_wait3A_237 = tpu.memref_slice %arg2[%mul3A_232] : memref<262144xf32, #tpu.memory_space<hbm>> -> memref<64xf32, #tpu.memory_space<hbm>>
          tpu.wait_dma2 semaphore(%run_scoped3A_233 : memref<!tpu.dma_semaphore, #tpu.memory_space<semaphore_mem>>) src(%dma_wait3A_237 : memref<64xf32, #tpu.memory_space<hbm>>) dst(%arg9 : memref<64xf32, #tpu.memory_space<vmem>>)
          tpu.yield
        }) : () -> ()
        %run_scoped3A = arith.constant 0 : i32
        "tpu.region"() ({
          %run_scoped3A_233 = tpu.sem_alloc : memref<!tpu.dma_semaphore, #tpu.memory_space<semaphore_mem>>
          %dma_start3A_234 = arith.constant 0 : i32
          %dma_start3A_235 = tpu.memref_slice %arg3[%run_scoped3A, %dma_start3A_234] : memref<10x64xf32, #tpu.memory_space<hbm>> -> memref<1x64xf32, #tpu.memory_space<hbm>>
          %dma_start3A_236 = tpu.memref_squeeze %dma_start3A_235 : memref<1x64xf32, #tpu.memory_space<hbm>> -> memref<64xf32, #tpu.memory_space<hbm>>
          %dma_start3A_237 = arith.constant 0 : i32
          %dma_start3A_238 = tpu.memref_slice %arg3[%run_scoped3A, %dma_start3A_237] : memref<10x64xf32, #tpu.memory_space<hbm>> -> memref<1x64xf32, #tpu.memory_space<hbm>>
          %dma_start3A_239 = tpu.memref_squeeze %dma_start3A_238 : memref<1x64xf32, #tpu.memory_space<hbm>> -> memref<64xf32, #tpu.memory_space<hbm>>
          tpu.enqueue_dma source(%arg9 : memref<64xf32, #tpu.memory_space<vmem>>) target(%dma_start3A_239 : memref<64xf32, #tpu.memory_space<hbm>>) target_semaphore(%run_scoped3A_233 : memref<!tpu.dma_semaphore, #tpu.memory_space<semaphore_mem>>)
          %dma_wait3A_240 = arith.constant 0 : i32
          %dma_wait3A_241 = tpu.memref_slice %arg3[%run_scoped3A, %dma_wait3A_240] : memref<10x64xf32, #tpu.memory_space<hbm>> -> memref<1x64xf32, #tpu.memory_space<hbm>>
          %dma_wait3A_242 = tpu.memref_squeeze %dma_wait3A_241 : memref<1x64xf32, #tpu.memory_space<hbm>> -> memref<64xf32, #tpu.memory_space<hbm>>
          %dma_wait3A_243 = arith.constant 0 : i32
          %dma_wait3A_244 = tpu.memref_slice %arg3[%run_scoped3A, %dma_wait3A_243] : memref<10x64xf32, #tpu.memory_space<hbm>> -> memref<1x64xf32, #tpu.memory_space<hbm>>
          %dma_wait3A_245 = tpu.memref_squeeze %dma_wait3A_244 : memref<1x64xf32, #tpu.memory_space<hbm>> -> memref<64xf32, #tpu.memory_space<hbm>>
          tpu.wait_dma2 semaphore(%run_scoped3A_233 : memref<!tpu.dma_semaphore, #tpu.memory_space<semaphore_mem>>) src(%arg9 : memref<64xf32, #tpu.memory_space<vmem>>) dst(%dma_wait3A_245 : memref<64xf32, #tpu.memory_space<hbm>>)
          tpu.yield
        }) : () -> ()
      } else {
      }
      %reduce_sum3A_147 = arith.constant true
      %reduce_sum3A_148 = vector.broadcast %reduce_sum3A_147 : i1 to vector<16xi1>
      %reduce_sum3A_149 = tpu.scan <sum>, %scan3A_137#2 masked %reduce_sum3A_148 : vector<16xi32>, vector<16xi1> -> vector<16xi32>
      %reduce_sum3A_150 = vector.extract %reduce_sum3A_149[15] : i32 from vector<16xi32>
      %gt3A_151 = arith.constant 0 : i32
      %gt3A_152 = arith.cmpi sgt, %reduce_sum3A_150, %gt3A_151 : i32
      %convert_element_type3A_153 = arith.extui %gt3A_152 : i1 to i32
      %cond3A_154 = arith.constant 0 : i32
      %cond3A_155 = arith.cmpi ne, %convert_element_type3A_153, %cond3A_154 : i32
      scf.if %cond3A_155 {
        %add3A_228 = arith.addi %mul3A_0, %reduce_sum3A_150 : i32
        %sub3A_229 = arith.constant 1 : i32
        %sub3A_230 = arith.subi %add3A_228, %sub3A_229 : i32
        %mul3A_231 = arith.constant 64 : i32
        %mul3A_232 = arith.muli %sub3A_230, %mul3A_231 : i32
        "tpu.region"() ({
          %run_scoped3A_233 = tpu.sem_alloc : memref<!tpu.dma_semaphore, #tpu.memory_space<semaphore_mem>>
          %dma_start3A_234 = tpu.memref_slice %arg2[%mul3A_232] : memref<262144xf32, #tpu.memory_space<hbm>> -> memref<64xf32, #tpu.memory_space<hbm>>
          %dma_start3A_235 = tpu.memref_slice %arg2[%mul3A_232] : memref<262144xf32, #tpu.memory_space<hbm>> -> memref<64xf32, #tpu.memory_space<hbm>>
          tpu.enqueue_dma source(%dma_start3A_235 : memref<64xf32, #tpu.memory_space<hbm>>) target(%arg9 : memref<64xf32, #tpu.memory_space<vmem>>) target_semaphore(%run_scoped3A_233 : memref<!tpu.dma_semaphore, #tpu.memory_space<semaphore_mem>>)
          %dma_wait3A_236 = tpu.memref_slice %arg2[%mul3A_232] : memref<262144xf32, #tpu.memory_space<hbm>> -> memref<64xf32, #tpu.memory_space<hbm>>
          %dma_wait3A_237 = tpu.memref_slice %arg2[%mul3A_232] : memref<262144xf32, #tpu.memory_space<hbm>> -> memref<64xf32, #tpu.memory_space<hbm>>
          tpu.wait_dma2 semaphore(%run_scoped3A_233 : memref<!tpu.dma_semaphore, #tpu.memory_space<semaphore_mem>>) src(%dma_wait3A_237 : memref<64xf32, #tpu.memory_space<hbm>>) dst(%arg9 : memref<64xf32, #tpu.memory_space<vmem>>)
          tpu.yield
        }) : () -> ()
        %run_scoped3A = arith.constant 1 : i32
        "tpu.region"() ({
          %run_scoped3A_233 = tpu.sem_alloc : memref<!tpu.dma_semaphore, #tpu.memory_space<semaphore_mem>>
          %dma_start3A_234 = arith.constant 0 : i32
          %dma_start3A_235 = tpu.memref_slice %arg3[%run_scoped3A, %dma_start3A_234] : memref<10x64xf32, #tpu.memory_space<hbm>> -> memref<1x64xf32, #tpu.memory_space<hbm>>
          %dma_start3A_236 = tpu.memref_squeeze %dma_start3A_235 : memref<1x64xf32, #tpu.memory_space<hbm>> -> memref<64xf32, #tpu.memory_space<hbm>>
          %dma_start3A_237 = arith.constant 0 : i32
          %dma_start3A_238 = tpu.memref_slice %arg3[%run_scoped3A, %dma_start3A_237] : memref<10x64xf32, #tpu.memory_space<hbm>> -> memref<1x64xf32, #tpu.memory_space<hbm>>
          %dma_start3A_239 = tpu.memref_squeeze %dma_start3A_238 : memref<1x64xf32, #tpu.memory_space<hbm>> -> memref<64xf32, #tpu.memory_space<hbm>>
          tpu.enqueue_dma source(%arg9 : memref<64xf32, #tpu.memory_space<vmem>>) target(%dma_start3A_239 : memref<64xf32, #tpu.memory_space<hbm>>) target_semaphore(%run_scoped3A_233 : memref<!tpu.dma_semaphore, #tpu.memory_space<semaphore_mem>>)
          %dma_wait3A_240 = arith.constant 0 : i32
          %dma_wait3A_241 = tpu.memref_slice %arg3[%run_scoped3A, %dma_wait3A_240] : memref<10x64xf32, #tpu.memory_space<hbm>> -> memref<1x64xf32, #tpu.memory_space<hbm>>
          %dma_wait3A_242 = tpu.memref_squeeze %dma_wait3A_241 : memref<1x64xf32, #tpu.memory_space<hbm>> -> memref<64xf32, #tpu.memory_space<hbm>>
          %dma_wait3A_243 = arith.constant 0 : i32
          %dma_wait3A_244 = tpu.memref_slice %arg3[%run_scoped3A, %dma_wait3A_243] : memref<10x64xf32, #tpu.memory_space<hbm>> -> memref<1x64xf32, #tpu.memory_space<hbm>>
          %dma_wait3A_245 = tpu.memref_squeeze %dma_wait3A_244 : memref<1x64xf32, #tpu.memory_space<hbm>> -> memref<64xf32, #tpu.memory_space<hbm>>
          tpu.wait_dma2 semaphore(%run_scoped3A_233 : memref<!tpu.dma_semaphore, #tpu.memory_space<semaphore_mem>>) src(%arg9 : memref<64xf32, #tpu.memory_space<vmem>>) dst(%dma_wait3A_245 : memref<64xf32, #tpu.memory_space<hbm>>)
          tpu.yield
        }) : () -> ()
      } else {
      }
      %reduce_sum3A_156 = arith.constant true
      %reduce_sum3A_157 = vector.broadcast %reduce_sum3A_156 : i1 to vector<16xi1>
      %reduce_sum3A_158 = tpu.scan <sum>, %scan3A_137#3 masked %reduce_sum3A_157 : vector<16xi32>, vector<16xi1> -> vector<16xi32>
      %reduce_sum3A_159 = vector.extract %reduce_sum3A_158[15] : i32 from vector<16xi32>
      %gt3A_160 = arith.constant 0 : i32
      %gt3A_161 = arith.cmpi sgt, %reduce_sum3A_159, %gt3A_160 : i32
      %convert_element_type3A_162 = arith.extui %gt3A_161 : i1 to i32
      %cond3A_163 = arith.constant 0 : i32
      %cond3A_164 = arith.cmpi ne, %convert_element_type3A_162, %cond3A_163 : i32
      scf.if %cond3A_164 {
        %add3A_228 = arith.addi %mul3A_0, %reduce_sum3A_159 : i32
        %sub3A_229 = arith.constant 1 : i32
        %sub3A_230 = arith.subi %add3A_228, %sub3A_229 : i32
        %mul3A_231 = arith.constant 64 : i32
        %mul3A_232 = arith.muli %sub3A_230, %mul3A_231 : i32
        "tpu.region"() ({
          %run_scoped3A_233 = tpu.sem_alloc : memref<!tpu.dma_semaphore, #tpu.memory_space<semaphore_mem>>
          %dma_start3A_234 = tpu.memref_slice %arg2[%mul3A_232] : memref<262144xf32, #tpu.memory_space<hbm>> -> memref<64xf32, #tpu.memory_space<hbm>>
          %dma_start3A_235 = tpu.memref_slice %arg2[%mul3A_232] : memref<262144xf32, #tpu.memory_space<hbm>> -> memref<64xf32, #tpu.memory_space<hbm>>
          tpu.enqueue_dma source(%dma_start3A_235 : memref<64xf32, #tpu.memory_space<hbm>>) target(%arg9 : memref<64xf32, #tpu.memory_space<vmem>>) target_semaphore(%run_scoped3A_233 : memref<!tpu.dma_semaphore, #tpu.memory_space<semaphore_mem>>)
          %dma_wait3A_236 = tpu.memref_slice %arg2[%mul3A_232] : memref<262144xf32, #tpu.memory_space<hbm>> -> memref<64xf32, #tpu.memory_space<hbm>>
          %dma_wait3A_237 = tpu.memref_slice %arg2[%mul3A_232] : memref<262144xf32, #tpu.memory_space<hbm>> -> memref<64xf32, #tpu.memory_space<hbm>>
          tpu.wait_dma2 semaphore(%run_scoped3A_233 : memref<!tpu.dma_semaphore, #tpu.memory_space<semaphore_mem>>) src(%dma_wait3A_237 : memref<64xf32, #tpu.memory_space<hbm>>) dst(%arg9 : memref<64xf32, #tpu.memory_space<vmem>>)
          tpu.yield
        }) : () -> ()
        %run_scoped3A = arith.constant 2 : i32
        "tpu.region"() ({
          %run_scoped3A_233 = tpu.sem_alloc : memref<!tpu.dma_semaphore, #tpu.memory_space<semaphore_mem>>
          %dma_start3A_234 = arith.constant 0 : i32
          %dma_start3A_235 = tpu.memref_slice %arg3[%run_scoped3A, %dma_start3A_234] : memref<10x64xf32, #tpu.memory_space<hbm>> -> memref<1x64xf32, #tpu.memory_space<hbm>>
          %dma_start3A_236 = tpu.memref_squeeze %dma_start3A_235 : memref<1x64xf32, #tpu.memory_space<hbm>> -> memref<64xf32, #tpu.memory_space<hbm>>
          %dma_start3A_237 = arith.constant 0 : i32
          %dma_start3A_238 = tpu.memref_slice %arg3[%run_scoped3A, %dma_start3A_237] : memref<10x64xf32, #tpu.memory_space<hbm>> -> memref<1x64xf32, #tpu.memory_space<hbm>>
          %dma_start3A_239 = tpu.memref_squeeze %dma_start3A_238 : memref<1x64xf32, #tpu.memory_space<hbm>> -> memref<64xf32, #tpu.memory_space<hbm>>
          tpu.enqueue_dma source(%arg9 : memref<64xf32, #tpu.memory_space<vmem>>) target(%dma_start3A_239 : memref<64xf32, #tpu.memory_space<hbm>>) target_semaphore(%run_scoped3A_233 : memref<!tpu.dma_semaphore, #tpu.memory_space<semaphore_mem>>)
          %dma_wait3A_240 = arith.constant 0 : i32
          %dma_wait3A_241 = tpu.memref_slice %arg3[%run_scoped3A, %dma_wait3A_240] : memref<10x64xf32, #tpu.memory_space<hbm>> -> memref<1x64xf32, #tpu.memory_space<hbm>>
          %dma_wait3A_242 = tpu.memref_squeeze %dma_wait3A_241 : memref<1x64xf32, #tpu.memory_space<hbm>> -> memref<64xf32, #tpu.memory_space<hbm>>
          %dma_wait3A_243 = arith.constant 0 : i32
          %dma_wait3A_244 = tpu.memref_slice %arg3[%run_scoped3A, %dma_wait3A_243] : memref<10x64xf32, #tpu.memory_space<hbm>> -> memref<1x64xf32, #tpu.memory_space<hbm>>
          %dma_wait3A_245 = tpu.memref_squeeze %dma_wait3A_244 : memref<1x64xf32, #tpu.memory_space<hbm>> -> memref<64xf32, #tpu.memory_space<hbm>>
          tpu.wait_dma2 semaphore(%run_scoped3A_233 : memref<!tpu.dma_semaphore, #tpu.memory_space<semaphore_mem>>) src(%arg9 : memref<64xf32, #tpu.memory_space<vmem>>) dst(%dma_wait3A_245 : memref<64xf32, #tpu.memory_space<hbm>>)
          tpu.yield
        }) : () -> ()
      } else {
      }
      %reduce_sum3A_165 = arith.constant true
      %reduce_sum3A_166 = vector.broadcast %reduce_sum3A_165 : i1 to vector<16xi1>
      %reduce_sum3A_167 = tpu.scan <sum>, %scan3A_137#4 masked %reduce_sum3A_166 : vector<16xi32>, vector<16xi1> -> vector<16xi32>
      %reduce_sum3A_168 = vector.extract %reduce_sum3A_167[15] : i32 from vector<16xi32>
      %gt3A_169 = arith.constant 0 : i32
      %gt3A_170 = arith.cmpi sgt, %reduce_sum3A_168, %gt3A_169 : i32
      %convert_element_type3A_171 = arith.extui %gt3A_170 : i1 to i32
      %cond3A_172 = arith.constant 0 : i32
      %cond3A_173 = arith.cmpi ne, %convert_element_type3A_171, %cond3A_172 : i32
      scf.if %cond3A_173 {
        %add3A_228 = arith.addi %mul3A_0, %reduce_sum3A_168 : i32
        %sub3A_229 = arith.constant 1 : i32
        %sub3A_230 = arith.subi %add3A_228, %sub3A_229 : i32
        %mul3A_231 = arith.constant 64 : i32
        %mul3A_232 = arith.muli %sub3A_230, %mul3A_231 : i32
        "tpu.region"() ({
          %run_scoped3A_233 = tpu.sem_alloc : memref<!tpu.dma_semaphore, #tpu.memory_space<semaphore_mem>>
          %dma_start3A_234 = tpu.memref_slice %arg2[%mul3A_232] : memref<262144xf32, #tpu.memory_space<hbm>> -> memref<64xf32, #tpu.memory_space<hbm>>
          %dma_start3A_235 = tpu.memref_slice %arg2[%mul3A_232] : memref<262144xf32, #tpu.memory_space<hbm>> -> memref<64xf32, #tpu.memory_space<hbm>>
          tpu.enqueue_dma source(%dma_start3A_235 : memref<64xf32, #tpu.memory_space<hbm>>) target(%arg9 : memref<64xf32, #tpu.memory_space<vmem>>) target_semaphore(%run_scoped3A_233 : memref<!tpu.dma_semaphore, #tpu.memory_space<semaphore_mem>>)
          %dma_wait3A_236 = tpu.memref_slice %arg2[%mul3A_232] : memref<262144xf32, #tpu.memory_space<hbm>> -> memref<64xf32, #tpu.memory_space<hbm>>
          %dma_wait3A_237 = tpu.memref_slice %arg2[%mul3A_232] : memref<262144xf32, #tpu.memory_space<hbm>> -> memref<64xf32, #tpu.memory_space<hbm>>
          tpu.wait_dma2 semaphore(%run_scoped3A_233 : memref<!tpu.dma_semaphore, #tpu.memory_space<semaphore_mem>>) src(%dma_wait3A_237 : memref<64xf32, #tpu.memory_space<hbm>>) dst(%arg9 : memref<64xf32, #tpu.memory_space<vmem>>)
          tpu.yield
        }) : () -> ()
        %run_scoped3A = arith.constant 3 : i32
        "tpu.region"() ({
          %run_scoped3A_233 = tpu.sem_alloc : memref<!tpu.dma_semaphore, #tpu.memory_space<semaphore_mem>>
          %dma_start3A_234 = arith.constant 0 : i32
          %dma_start3A_235 = tpu.memref_slice %arg3[%run_scoped3A, %dma_start3A_234] : memref<10x64xf32, #tpu.memory_space<hbm>> -> memref<1x64xf32, #tpu.memory_space<hbm>>
          %dma_start3A_236 = tpu.memref_squeeze %dma_start3A_235 : memref<1x64xf32, #tpu.memory_space<hbm>> -> memref<64xf32, #tpu.memory_space<hbm>>
          %dma_start3A_237 = arith.constant 0 : i32
          %dma_start3A_238 = tpu.memref_slice %arg3[%run_scoped3A, %dma_start3A_237] : memref<10x64xf32, #tpu.memory_space<hbm>> -> memref<1x64xf32, #tpu.memory_space<hbm>>
          %dma_start3A_239 = tpu.memref_squeeze %dma_start3A_238 : memref<1x64xf32, #tpu.memory_space<hbm>> -> memref<64xf32, #tpu.memory_space<hbm>>
          tpu.enqueue_dma source(%arg9 : memref<64xf32, #tpu.memory_space<vmem>>) target(%dma_start3A_239 : memref<64xf32, #tpu.memory_space<hbm>>) target_semaphore(%run_scoped3A_233 : memref<!tpu.dma_semaphore, #tpu.memory_space<semaphore_mem>>)
          %dma_wait3A_240 = arith.constant 0 : i32
          %dma_wait3A_241 = tpu.memref_slice %arg3[%run_scoped3A, %dma_wait3A_240] : memref<10x64xf32, #tpu.memory_space<hbm>> -> memref<1x64xf32, #tpu.memory_space<hbm>>
          %dma_wait3A_242 = tpu.memref_squeeze %dma_wait3A_241 : memref<1x64xf32, #tpu.memory_space<hbm>> -> memref<64xf32, #tpu.memory_space<hbm>>
          %dma_wait3A_243 = arith.constant 0 : i32
          %dma_wait3A_244 = tpu.memref_slice %arg3[%run_scoped3A, %dma_wait3A_243] : memref<10x64xf32, #tpu.memory_space<hbm>> -> memref<1x64xf32, #tpu.memory_space<hbm>>
          %dma_wait3A_245 = tpu.memref_squeeze %dma_wait3A_244 : memref<1x64xf32, #tpu.memory_space<hbm>> -> memref<64xf32, #tpu.memory_space<hbm>>
          tpu.wait_dma2 semaphore(%run_scoped3A_233 : memref<!tpu.dma_semaphore, #tpu.memory_space<semaphore_mem>>) src(%arg9 : memref<64xf32, #tpu.memory_space<vmem>>) dst(%dma_wait3A_245 : memref<64xf32, #tpu.memory_space<hbm>>)
          tpu.yield
        }) : () -> ()
      } else {
      }
      %reduce_sum3A_174 = arith.constant true
      %reduce_sum3A_175 = vector.broadcast %reduce_sum3A_174 : i1 to vector<16xi1>
      %reduce_sum3A_176 = tpu.scan <sum>, %scan3A_137#5 masked %reduce_sum3A_175 : vector<16xi32>, vector<16xi1> -> vector<16xi32>
      %reduce_sum3A_177 = vector.extract %reduce_sum3A_176[15] : i32 from vector<16xi32>
      %gt3A_178 = arith.constant 0 : i32
      %gt3A_179 = arith.cmpi sgt, %reduce_sum3A_177, %gt3A_178 : i32
      %convert_element_type3A_180 = arith.extui %gt3A_179 : i1 to i32
      %cond3A_181 = arith.constant 0 : i32
      %cond3A_182 = arith.cmpi ne, %convert_element_type3A_180, %cond3A_181 : i32
      scf.if %cond3A_182 {
        %add3A_228 = arith.addi %mul3A_0, %reduce_sum3A_177 : i32
        %sub3A_229 = arith.constant 1 : i32
        %sub3A_230 = arith.subi %add3A_228, %sub3A_229 : i32
        %mul3A_231 = arith.constant 64 : i32
        %mul3A_232 = arith.muli %sub3A_230, %mul3A_231 : i32
        "tpu.region"() ({
          %run_scoped3A_233 = tpu.sem_alloc : memref<!tpu.dma_semaphore, #tpu.memory_space<semaphore_mem>>
          %dma_start3A_234 = tpu.memref_slice %arg2[%mul3A_232] : memref<262144xf32, #tpu.memory_space<hbm>> -> memref<64xf32, #tpu.memory_space<hbm>>
          %dma_start3A_235 = tpu.memref_slice %arg2[%mul3A_232] : memref<262144xf32, #tpu.memory_space<hbm>> -> memref<64xf32, #tpu.memory_space<hbm>>
          tpu.enqueue_dma source(%dma_start3A_235 : memref<64xf32, #tpu.memory_space<hbm>>) target(%arg9 : memref<64xf32, #tpu.memory_space<vmem>>) target_semaphore(%run_scoped3A_233 : memref<!tpu.dma_semaphore, #tpu.memory_space<semaphore_mem>>)
          %dma_wait3A_236 = tpu.memref_slice %arg2[%mul3A_232] : memref<262144xf32, #tpu.memory_space<hbm>> -> memref<64xf32, #tpu.memory_space<hbm>>
          %dma_wait3A_237 = tpu.memref_slice %arg2[%mul3A_232] : memref<262144xf32, #tpu.memory_space<hbm>> -> memref<64xf32, #tpu.memory_space<hbm>>
          tpu.wait_dma2 semaphore(%run_scoped3A_233 : memref<!tpu.dma_semaphore, #tpu.memory_space<semaphore_mem>>) src(%dma_wait3A_237 : memref<64xf32, #tpu.memory_space<hbm>>) dst(%arg9 : memref<64xf32, #tpu.memory_space<vmem>>)
          tpu.yield
        }) : () -> ()
        %run_scoped3A = arith.constant 4 : i32
        "tpu.region"() ({
          %run_scoped3A_233 = tpu.sem_alloc : memref<!tpu.dma_semaphore, #tpu.memory_space<semaphore_mem>>
          %dma_start3A_234 = arith.constant 0 : i32
          %dma_start3A_235 = tpu.memref_slice %arg3[%run_scoped3A, %dma_start3A_234] : memref<10x64xf32, #tpu.memory_space<hbm>> -> memref<1x64xf32, #tpu.memory_space<hbm>>
          %dma_start3A_236 = tpu.memref_squeeze %dma_start3A_235 : memref<1x64xf32, #tpu.memory_space<hbm>> -> memref<64xf32, #tpu.memory_space<hbm>>
          %dma_start3A_237 = arith.constant 0 : i32
          %dma_start3A_238 = tpu.memref_slice %arg3[%run_scoped3A, %dma_start3A_237] : memref<10x64xf32, #tpu.memory_space<hbm>> -> memref<1x64xf32, #tpu.memory_space<hbm>>
          %dma_start3A_239 = tpu.memref_squeeze %dma_start3A_238 : memref<1x64xf32, #tpu.memory_space<hbm>> -> memref<64xf32, #tpu.memory_space<hbm>>
          tpu.enqueue_dma source(%arg9 : memref<64xf32, #tpu.memory_space<vmem>>) target(%dma_start3A_239 : memref<64xf32, #tpu.memory_space<hbm>>) target_semaphore(%run_scoped3A_233 : memref<!tpu.dma_semaphore, #tpu.memory_space<semaphore_mem>>)
          %dma_wait3A_240 = arith.constant 0 : i32
          %dma_wait3A_241 = tpu.memref_slice %arg3[%run_scoped3A, %dma_wait3A_240] : memref<10x64xf32, #tpu.memory_space<hbm>> -> memref<1x64xf32, #tpu.memory_space<hbm>>
          %dma_wait3A_242 = tpu.memref_squeeze %dma_wait3A_241 : memref<1x64xf32, #tpu.memory_space<hbm>> -> memref<64xf32, #tpu.memory_space<hbm>>
          %dma_wait3A_243 = arith.constant 0 : i32
          %dma_wait3A_244 = tpu.memref_slice %arg3[%run_scoped3A, %dma_wait3A_243] : memref<10x64xf32, #tpu.memory_space<hbm>> -> memref<1x64xf32, #tpu.memory_space<hbm>>
          %dma_wait3A_245 = tpu.memref_squeeze %dma_wait3A_244 : memref<1x64xf32, #tpu.memory_space<hbm>> -> memref<64xf32, #tpu.memory_space<hbm>>
          tpu.wait_dma2 semaphore(%run_scoped3A_233 : memref<!tpu.dma_semaphore, #tpu.memory_space<semaphore_mem>>) src(%arg9 : memref<64xf32, #tpu.memory_space<vmem>>) dst(%dma_wait3A_245 : memref<64xf32, #tpu.memory_space<hbm>>)
          tpu.yield
        }) : () -> ()
      } else {
      }
      %reduce_sum3A_183 = arith.constant true
      %reduce_sum3A_184 = vector.broadcast %reduce_sum3A_183 : i1 to vector<16xi1>
      %reduce_sum3A_185 = tpu.scan <sum>, %scan3A_137#6 masked %reduce_sum3A_184 : vector<16xi32>, vector<16xi1> -> vector<16xi32>
      %reduce_sum3A_186 = vector.extract %reduce_sum3A_185[15] : i32 from vector<16xi32>
      %gt3A_187 = arith.constant 0 : i32
      %gt3A_188 = arith.cmpi sgt, %reduce_sum3A_186, %gt3A_187 : i32
      %convert_element_type3A_189 = arith.extui %gt3A_188 : i1 to i32
      %cond3A_190 = arith.constant 0 : i32
      %cond3A_191 = arith.cmpi ne, %convert_element_type3A_189, %cond3A_190 : i32
      scf.if %cond3A_191 {
        %add3A_228 = arith.addi %mul3A_0, %reduce_sum3A_186 : i32
        %sub3A_229 = arith.constant 1 : i32
        %sub3A_230 = arith.subi %add3A_228, %sub3A_229 : i32
        %mul3A_231 = arith.constant 64 : i32
        %mul3A_232 = arith.muli %sub3A_230, %mul3A_231 : i32
        "tpu.region"() ({
          %run_scoped3A_233 = tpu.sem_alloc : memref<!tpu.dma_semaphore, #tpu.memory_space<semaphore_mem>>
          %dma_start3A_234 = tpu.memref_slice %arg2[%mul3A_232] : memref<262144xf32, #tpu.memory_space<hbm>> -> memref<64xf32, #tpu.memory_space<hbm>>
          %dma_start3A_235 = tpu.memref_slice %arg2[%mul3A_232] : memref<262144xf32, #tpu.memory_space<hbm>> -> memref<64xf32, #tpu.memory_space<hbm>>
          tpu.enqueue_dma source(%dma_start3A_235 : memref<64xf32, #tpu.memory_space<hbm>>) target(%arg9 : memref<64xf32, #tpu.memory_space<vmem>>) target_semaphore(%run_scoped3A_233 : memref<!tpu.dma_semaphore, #tpu.memory_space<semaphore_mem>>)
          %dma_wait3A_236 = tpu.memref_slice %arg2[%mul3A_232] : memref<262144xf32, #tpu.memory_space<hbm>> -> memref<64xf32, #tpu.memory_space<hbm>>
          %dma_wait3A_237 = tpu.memref_slice %arg2[%mul3A_232] : memref<262144xf32, #tpu.memory_space<hbm>> -> memref<64xf32, #tpu.memory_space<hbm>>
          tpu.wait_dma2 semaphore(%run_scoped3A_233 : memref<!tpu.dma_semaphore, #tpu.memory_space<semaphore_mem>>) src(%dma_wait3A_237 : memref<64xf32, #tpu.memory_space<hbm>>) dst(%arg9 : memref<64xf32, #tpu.memory_space<vmem>>)
          tpu.yield
        }) : () -> ()
        %run_scoped3A = arith.constant 5 : i32
        "tpu.region"() ({
          %run_scoped3A_233 = tpu.sem_alloc : memref<!tpu.dma_semaphore, #tpu.memory_space<semaphore_mem>>
          %dma_start3A_234 = arith.constant 0 : i32
          %dma_start3A_235 = tpu.memref_slice %arg3[%run_scoped3A, %dma_start3A_234] : memref<10x64xf32, #tpu.memory_space<hbm>> -> memref<1x64xf32, #tpu.memory_space<hbm>>
          %dma_start3A_236 = tpu.memref_squeeze %dma_start3A_235 : memref<1x64xf32, #tpu.memory_space<hbm>> -> memref<64xf32, #tpu.memory_space<hbm>>
          %dma_start3A_237 = arith.constant 0 : i32
          %dma_start3A_238 = tpu.memref_slice %arg3[%run_scoped3A, %dma_start3A_237] : memref<10x64xf32, #tpu.memory_space<hbm>> -> memref<1x64xf32, #tpu.memory_space<hbm>>
          %dma_start3A_239 = tpu.memref_squeeze %dma_start3A_238 : memref<1x64xf32, #tpu.memory_space<hbm>> -> memref<64xf32, #tpu.memory_space<hbm>>
          tpu.enqueue_dma source(%arg9 : memref<64xf32, #tpu.memory_space<vmem>>) target(%dma_start3A_239 : memref<64xf32, #tpu.memory_space<hbm>>) target_semaphore(%run_scoped3A_233 : memref<!tpu.dma_semaphore, #tpu.memory_space<semaphore_mem>>)
          %dma_wait3A_240 = arith.constant 0 : i32
          %dma_wait3A_241 = tpu.memref_slice %arg3[%run_scoped3A, %dma_wait3A_240] : memref<10x64xf32, #tpu.memory_space<hbm>> -> memref<1x64xf32, #tpu.memory_space<hbm>>
          %dma_wait3A_242 = tpu.memref_squeeze %dma_wait3A_241 : memref<1x64xf32, #tpu.memory_space<hbm>> -> memref<64xf32, #tpu.memory_space<hbm>>
          %dma_wait3A_243 = arith.constant 0 : i32
          %dma_wait3A_244 = tpu.memref_slice %arg3[%run_scoped3A, %dma_wait3A_243] : memref<10x64xf32, #tpu.memory_space<hbm>> -> memref<1x64xf32, #tpu.memory_space<hbm>>
          %dma_wait3A_245 = tpu.memref_squeeze %dma_wait3A_244 : memref<1x64xf32, #tpu.memory_space<hbm>> -> memref<64xf32, #tpu.memory_space<hbm>>
          tpu.wait_dma2 semaphore(%run_scoped3A_233 : memref<!tpu.dma_semaphore, #tpu.memory_space<semaphore_mem>>) src(%arg9 : memref<64xf32, #tpu.memory_space<vmem>>) dst(%dma_wait3A_245 : memref<64xf32, #tpu.memory_space<hbm>>)
          tpu.yield
        }) : () -> ()
      } else {
      }
      %reduce_sum3A_192 = arith.constant true
      %reduce_sum3A_193 = vector.broadcast %reduce_sum3A_192 : i1 to vector<16xi1>
      %reduce_sum3A_194 = tpu.scan <sum>, %scan3A_137#7 masked %reduce_sum3A_193 : vector<16xi32>, vector<16xi1> -> vector<16xi32>
      %reduce_sum3A_195 = vector.extract %reduce_sum3A_194[15] : i32 from vector<16xi32>
      %gt3A_196 = arith.constant 0 : i32
      %gt3A_197 = arith.cmpi sgt, %reduce_sum3A_195, %gt3A_196 : i32
      %convert_element_type3A_198 = arith.extui %gt3A_197 : i1 to i32
      %cond3A_199 = arith.constant 0 : i32
      %cond3A_200 = arith.cmpi ne, %convert_element_type3A_198, %cond3A_199 : i32
      scf.if %cond3A_200 {
        %add3A_228 = arith.addi %mul3A_0, %reduce_sum3A_195 : i32
        %sub3A_229 = arith.constant 1 : i32
        %sub3A_230 = arith.subi %add3A_228, %sub3A_229 : i32
        %mul3A_231 = arith.constant 64 : i32
        %mul3A_232 = arith.muli %sub3A_230, %mul3A_231 : i32
        "tpu.region"() ({
          %run_scoped3A_233 = tpu.sem_alloc : memref<!tpu.dma_semaphore, #tpu.memory_space<semaphore_mem>>
          %dma_start3A_234 = tpu.memref_slice %arg2[%mul3A_232] : memref<262144xf32, #tpu.memory_space<hbm>> -> memref<64xf32, #tpu.memory_space<hbm>>
          %dma_start3A_235 = tpu.memref_slice %arg2[%mul3A_232] : memref<262144xf32, #tpu.memory_space<hbm>> -> memref<64xf32, #tpu.memory_space<hbm>>
          tpu.enqueue_dma source(%dma_start3A_235 : memref<64xf32, #tpu.memory_space<hbm>>) target(%arg9 : memref<64xf32, #tpu.memory_space<vmem>>) target_semaphore(%run_scoped3A_233 : memref<!tpu.dma_semaphore, #tpu.memory_space<semaphore_mem>>)
          %dma_wait3A_236 = tpu.memref_slice %arg2[%mul3A_232] : memref<262144xf32, #tpu.memory_space<hbm>> -> memref<64xf32, #tpu.memory_space<hbm>>
          %dma_wait3A_237 = tpu.memref_slice %arg2[%mul3A_232] : memref<262144xf32, #tpu.memory_space<hbm>> -> memref<64xf32, #tpu.memory_space<hbm>>
          tpu.wait_dma2 semaphore(%run_scoped3A_233 : memref<!tpu.dma_semaphore, #tpu.memory_space<semaphore_mem>>) src(%dma_wait3A_237 : memref<64xf32, #tpu.memory_space<hbm>>) dst(%arg9 : memref<64xf32, #tpu.memory_space<vmem>>)
          tpu.yield
        }) : () -> ()
        %run_scoped3A = arith.constant 6 : i32
        "tpu.region"() ({
          %run_scoped3A_233 = tpu.sem_alloc : memref<!tpu.dma_semaphore, #tpu.memory_space<semaphore_mem>>
          %dma_start3A_234 = arith.constant 0 : i32
          %dma_start3A_235 = tpu.memref_slice %arg3[%run_scoped3A, %dma_start3A_234] : memref<10x64xf32, #tpu.memory_space<hbm>> -> memref<1x64xf32, #tpu.memory_space<hbm>>
          %dma_start3A_236 = tpu.memref_squeeze %dma_start3A_235 : memref<1x64xf32, #tpu.memory_space<hbm>> -> memref<64xf32, #tpu.memory_space<hbm>>
          %dma_start3A_237 = arith.constant 0 : i32
          %dma_start3A_238 = tpu.memref_slice %arg3[%run_scoped3A, %dma_start3A_237] : memref<10x64xf32, #tpu.memory_space<hbm>> -> memref<1x64xf32, #tpu.memory_space<hbm>>
          %dma_start3A_239 = tpu.memref_squeeze %dma_start3A_238 : memref<1x64xf32, #tpu.memory_space<hbm>> -> memref<64xf32, #tpu.memory_space<hbm>>
          tpu.enqueue_dma source(%arg9 : memref<64xf32, #tpu.memory_space<vmem>>) target(%dma_start3A_239 : memref<64xf32, #tpu.memory_space<hbm>>) target_semaphore(%run_scoped3A_233 : memref<!tpu.dma_semaphore, #tpu.memory_space<semaphore_mem>>)
          %dma_wait3A_240 = arith.constant 0 : i32
          %dma_wait3A_241 = tpu.memref_slice %arg3[%run_scoped3A, %dma_wait3A_240] : memref<10x64xf32, #tpu.memory_space<hbm>> -> memref<1x64xf32, #tpu.memory_space<hbm>>
          %dma_wait3A_242 = tpu.memref_squeeze %dma_wait3A_241 : memref<1x64xf32, #tpu.memory_space<hbm>> -> memref<64xf32, #tpu.memory_space<hbm>>
          %dma_wait3A_243 = arith.constant 0 : i32
          %dma_wait3A_244 = tpu.memref_slice %arg3[%run_scoped3A, %dma_wait3A_243] : memref<10x64xf32, #tpu.memory_space<hbm>> -> memref<1x64xf32, #tpu.memory_space<hbm>>
          %dma_wait3A_245 = tpu.memref_squeeze %dma_wait3A_244 : memref<1x64xf32, #tpu.memory_space<hbm>> -> memref<64xf32, #tpu.memory_space<hbm>>
          tpu.wait_dma2 semaphore(%run_scoped3A_233 : memref<!tpu.dma_semaphore, #tpu.memory_space<semaphore_mem>>) src(%arg9 : memref<64xf32, #tpu.memory_space<vmem>>) dst(%dma_wait3A_245 : memref<64xf32, #tpu.memory_space<hbm>>)
          tpu.yield
        }) : () -> ()
      } else {
      }
      %reduce_sum3A_201 = arith.constant true
      %reduce_sum3A_202 = vector.broadcast %reduce_sum3A_201 : i1 to vector<16xi1>
      %reduce_sum3A_203 = tpu.scan <sum>, %scan3A_137#8 masked %reduce_sum3A_202 : vector<16xi32>, vector<16xi1> -> vector<16xi32>
      %reduce_sum3A_204 = vector.extract %reduce_sum3A_203[15] : i32 from vector<16xi32>
      %gt3A_205 = arith.constant 0 : i32
      %gt3A_206 = arith.cmpi sgt, %reduce_sum3A_204, %gt3A_205 : i32
      %convert_element_type3A_207 = arith.extui %gt3A_206 : i1 to i32
      %cond3A_208 = arith.constant 0 : i32
      %cond3A_209 = arith.cmpi ne, %convert_element_type3A_207, %cond3A_208 : i32
      scf.if %cond3A_209 {
        %add3A_228 = arith.addi %mul3A_0, %reduce_sum3A_204 : i32
        %sub3A_229 = arith.constant 1 : i32
        %sub3A_230 = arith.subi %add3A_228, %sub3A_229 : i32
        %mul3A_231 = arith.constant 64 : i32
        %mul3A_232 = arith.muli %sub3A_230, %mul3A_231 : i32
        "tpu.region"() ({
          %run_scoped3A_233 = tpu.sem_alloc : memref<!tpu.dma_semaphore, #tpu.memory_space<semaphore_mem>>
          %dma_start3A_234 = tpu.memref_slice %arg2[%mul3A_232] : memref<262144xf32, #tpu.memory_space<hbm>> -> memref<64xf32, #tpu.memory_space<hbm>>
          %dma_start3A_235 = tpu.memref_slice %arg2[%mul3A_232] : memref<262144xf32, #tpu.memory_space<hbm>> -> memref<64xf32, #tpu.memory_space<hbm>>
          tpu.enqueue_dma source(%dma_start3A_235 : memref<64xf32, #tpu.memory_space<hbm>>) target(%arg9 : memref<64xf32, #tpu.memory_space<vmem>>) target_semaphore(%run_scoped3A_233 : memref<!tpu.dma_semaphore, #tpu.memory_space<semaphore_mem>>)
          %dma_wait3A_236 = tpu.memref_slice %arg2[%mul3A_232] : memref<262144xf32, #tpu.memory_space<hbm>> -> memref<64xf32, #tpu.memory_space<hbm>>
          %dma_wait3A_237 = tpu.memref_slice %arg2[%mul3A_232] : memref<262144xf32, #tpu.memory_space<hbm>> -> memref<64xf32, #tpu.memory_space<hbm>>
          tpu.wait_dma2 semaphore(%run_scoped3A_233 : memref<!tpu.dma_semaphore, #tpu.memory_space<semaphore_mem>>) src(%dma_wait3A_237 : memref<64xf32, #tpu.memory_space<hbm>>) dst(%arg9 : memref<64xf32, #tpu.memory_space<vmem>>)
          tpu.yield
        }) : () -> ()
        %run_scoped3A = arith.constant 7 : i32
        "tpu.region"() ({
          %run_scoped3A_233 = tpu.sem_alloc : memref<!tpu.dma_semaphore, #tpu.memory_space<semaphore_mem>>
          %dma_start3A_234 = arith.constant 0 : i32
          %dma_start3A_235 = tpu.memref_slice %arg3[%run_scoped3A, %dma_start3A_234] : memref<10x64xf32, #tpu.memory_space<hbm>> -> memref<1x64xf32, #tpu.memory_space<hbm>>
          %dma_start3A_236 = tpu.memref_squeeze %dma_start3A_235 : memref<1x64xf32, #tpu.memory_space<hbm>> -> memref<64xf32, #tpu.memory_space<hbm>>
          %dma_start3A_237 = arith.constant 0 : i32
          %dma_start3A_238 = tpu.memref_slice %arg3[%run_scoped3A, %dma_start3A_237] : memref<10x64xf32, #tpu.memory_space<hbm>> -> memref<1x64xf32, #tpu.memory_space<hbm>>
          %dma_start3A_239 = tpu.memref_squeeze %dma_start3A_238 : memref<1x64xf32, #tpu.memory_space<hbm>> -> memref<64xf32, #tpu.memory_space<hbm>>
          tpu.enqueue_dma source(%arg9 : memref<64xf32, #tpu.memory_space<vmem>>) target(%dma_start3A_239 : memref<64xf32, #tpu.memory_space<hbm>>) target_semaphore(%run_scoped3A_233 : memref<!tpu.dma_semaphore, #tpu.memory_space<semaphore_mem>>)
          %dma_wait3A_240 = arith.constant 0 : i32
          %dma_wait3A_241 = tpu.memref_slice %arg3[%run_scoped3A, %dma_wait3A_240] : memref<10x64xf32, #tpu.memory_space<hbm>> -> memref<1x64xf32, #tpu.memory_space<hbm>>
          %dma_wait3A_242 = tpu.memref_squeeze %dma_wait3A_241 : memref<1x64xf32, #tpu.memory_space<hbm>> -> memref<64xf32, #tpu.memory_space<hbm>>
          %dma_wait3A_243 = arith.constant 0 : i32
          %dma_wait3A_244 = tpu.memref_slice %arg3[%run_scoped3A, %dma_wait3A_243] : memref<10x64xf32, #tpu.memory_space<hbm>> -> memref<1x64xf32, #tpu.memory_space<hbm>>
          %dma_wait3A_245 = tpu.memref_squeeze %dma_wait3A_244 : memref<1x64xf32, #tpu.memory_space<hbm>> -> memref<64xf32, #tpu.memory_space<hbm>>
          tpu.wait_dma2 semaphore(%run_scoped3A_233 : memref<!tpu.dma_semaphore, #tpu.memory_space<semaphore_mem>>) src(%arg9 : memref<64xf32, #tpu.memory_space<vmem>>) dst(%dma_wait3A_245 : memref<64xf32, #tpu.memory_space<hbm>>)
          tpu.yield
        }) : () -> ()
      } else {
      }
      %reduce_sum3A_210 = arith.constant true
      %reduce_sum3A_211 = vector.broadcast %reduce_sum3A_210 : i1 to vector<16xi1>
      %reduce_sum3A_212 = tpu.scan <sum>, %scan3A_137#9 masked %reduce_sum3A_211 : vector<16xi32>, vector<16xi1> -> vector<16xi32>
      %reduce_sum3A_213 = vector.extract %reduce_sum3A_212[15] : i32 from vector<16xi32>
      %gt3A_214 = arith.constant 0 : i32
      %gt3A_215 = arith.cmpi sgt, %reduce_sum3A_213, %gt3A_214 : i32
      %convert_element_type3A_216 = arith.extui %gt3A_215 : i1 to i32
      %cond3A_217 = arith.constant 0 : i32
      %cond3A_218 = arith.cmpi ne, %convert_element_type3A_216, %cond3A_217 : i32
      scf.if %cond3A_218 {
        %add3A_228 = arith.addi %mul3A_0, %reduce_sum3A_213 : i32
        %sub3A_229 = arith.constant 1 : i32
        %sub3A_230 = arith.subi %add3A_228, %sub3A_229 : i32
        %mul3A_231 = arith.constant 64 : i32
        %mul3A_232 = arith.muli %sub3A_230, %mul3A_231 : i32
        "tpu.region"() ({
          %run_scoped3A_233 = tpu.sem_alloc : memref<!tpu.dma_semaphore, #tpu.memory_space<semaphore_mem>>
          %dma_start3A_234 = tpu.memref_slice %arg2[%mul3A_232] : memref<262144xf32, #tpu.memory_space<hbm>> -> memref<64xf32, #tpu.memory_space<hbm>>
          %dma_start3A_235 = tpu.memref_slice %arg2[%mul3A_232] : memref<262144xf32, #tpu.memory_space<hbm>> -> memref<64xf32, #tpu.memory_space<hbm>>
          tpu.enqueue_dma source(%dma_start3A_235 : memref<64xf32, #tpu.memory_space<hbm>>) target(%arg9 : memref<64xf32, #tpu.memory_space<vmem>>) target_semaphore(%run_scoped3A_233 : memref<!tpu.dma_semaphore, #tpu.memory_space<semaphore_mem>>)
          %dma_wait3A_236 = tpu.memref_slice %arg2[%mul3A_232] : memref<262144xf32, #tpu.memory_space<hbm>> -> memref<64xf32, #tpu.memory_space<hbm>>
          %dma_wait3A_237 = tpu.memref_slice %arg2[%mul3A_232] : memref<262144xf32, #tpu.memory_space<hbm>> -> memref<64xf32, #tpu.memory_space<hbm>>
          tpu.wait_dma2 semaphore(%run_scoped3A_233 : memref<!tpu.dma_semaphore, #tpu.memory_space<semaphore_mem>>) src(%dma_wait3A_237 : memref<64xf32, #tpu.memory_space<hbm>>) dst(%arg9 : memref<64xf32, #tpu.memory_space<vmem>>)
          tpu.yield
        }) : () -> ()
        %run_scoped3A = arith.constant 8 : i32
        "tpu.region"() ({
          %run_scoped3A_233 = tpu.sem_alloc : memref<!tpu.dma_semaphore, #tpu.memory_space<semaphore_mem>>
          %dma_start3A_234 = arith.constant 0 : i32
          %dma_start3A_235 = tpu.memref_slice %arg3[%run_scoped3A, %dma_start3A_234] : memref<10x64xf32, #tpu.memory_space<hbm>> -> memref<1x64xf32, #tpu.memory_space<hbm>>
          %dma_start3A_236 = tpu.memref_squeeze %dma_start3A_235 : memref<1x64xf32, #tpu.memory_space<hbm>> -> memref<64xf32, #tpu.memory_space<hbm>>
          %dma_start3A_237 = arith.constant 0 : i32
          %dma_start3A_238 = tpu.memref_slice %arg3[%run_scoped3A, %dma_start3A_237] : memref<10x64xf32, #tpu.memory_space<hbm>> -> memref<1x64xf32, #tpu.memory_space<hbm>>
          %dma_start3A_239 = tpu.memref_squeeze %dma_start3A_238 : memref<1x64xf32, #tpu.memory_space<hbm>> -> memref<64xf32, #tpu.memory_space<hbm>>
          tpu.enqueue_dma source(%arg9 : memref<64xf32, #tpu.memory_space<vmem>>) target(%dma_start3A_239 : memref<64xf32, #tpu.memory_space<hbm>>) target_semaphore(%run_scoped3A_233 : memref<!tpu.dma_semaphore, #tpu.memory_space<semaphore_mem>>)
          %dma_wait3A_240 = arith.constant 0 : i32
          %dma_wait3A_241 = tpu.memref_slice %arg3[%run_scoped3A, %dma_wait3A_240] : memref<10x64xf32, #tpu.memory_space<hbm>> -> memref<1x64xf32, #tpu.memory_space<hbm>>
          %dma_wait3A_242 = tpu.memref_squeeze %dma_wait3A_241 : memref<1x64xf32, #tpu.memory_space<hbm>> -> memref<64xf32, #tpu.memory_space<hbm>>
          %dma_wait3A_243 = arith.constant 0 : i32
          %dma_wait3A_244 = tpu.memref_slice %arg3[%run_scoped3A, %dma_wait3A_243] : memref<10x64xf32, #tpu.memory_space<hbm>> -> memref<1x64xf32, #tpu.memory_space<hbm>>
          %dma_wait3A_245 = tpu.memref_squeeze %dma_wait3A_244 : memref<1x64xf32, #tpu.memory_space<hbm>> -> memref<64xf32, #tpu.memory_space<hbm>>
          tpu.wait_dma2 semaphore(%run_scoped3A_233 : memref<!tpu.dma_semaphore, #tpu.memory_space<semaphore_mem>>) src(%arg9 : memref<64xf32, #tpu.memory_space<vmem>>) dst(%dma_wait3A_245 : memref<64xf32, #tpu.memory_space<hbm>>)
          tpu.yield
        }) : () -> ()
      } else {
      }
      %reduce_sum3A_219 = arith.constant true
      %reduce_sum3A_220 = vector.broadcast %reduce_sum3A_219 : i1 to vector<16xi1>
      %reduce_sum3A_221 = tpu.scan <sum>, %scan3A_137#10 masked %reduce_sum3A_220 : vector<16xi32>, vector<16xi1> -> vector<16xi32>
      %reduce_sum3A_222 = vector.extract %reduce_sum3A_221[15] : i32 from vector<16xi32>
      %gt3A_223 = arith.constant 0 : i32
      %gt3A_224 = arith.cmpi sgt, %reduce_sum3A_222, %gt3A_223 : i32
      %convert_element_type3A_225 = arith.extui %gt3A_224 : i1 to i32
      %cond3A_226 = arith.constant 0 : i32
      %cond3A_227 = arith.cmpi ne, %convert_element_type3A_225, %cond3A_226 : i32
      scf.if %cond3A_227 {
        %add3A_228 = arith.addi %mul3A_0, %reduce_sum3A_222 : i32
        %sub3A_229 = arith.constant 1 : i32
        %sub3A_230 = arith.subi %add3A_228, %sub3A_229 : i32
        %mul3A_231 = arith.constant 64 : i32
        %mul3A_232 = arith.muli %sub3A_230, %mul3A_231 : i32
        "tpu.region"() ({
          %run_scoped3A_233 = tpu.sem_alloc : memref<!tpu.dma_semaphore, #tpu.memory_space<semaphore_mem>>
          %dma_start3A_234 = tpu.memref_slice %arg2[%mul3A_232] : memref<262144xf32, #tpu.memory_space<hbm>> -> memref<64xf32, #tpu.memory_space<hbm>>
          %dma_start3A_235 = tpu.memref_slice %arg2[%mul3A_232] : memref<262144xf32, #tpu.memory_space<hbm>> -> memref<64xf32, #tpu.memory_space<hbm>>
          tpu.enqueue_dma source(%dma_start3A_235 : memref<64xf32, #tpu.memory_space<hbm>>) target(%arg9 : memref<64xf32, #tpu.memory_space<vmem>>) target_semaphore(%run_scoped3A_233 : memref<!tpu.dma_semaphore, #tpu.memory_space<semaphore_mem>>)
          %dma_wait3A_236 = tpu.memref_slice %arg2[%mul3A_232] : memref<262144xf32, #tpu.memory_space<hbm>> -> memref<64xf32, #tpu.memory_space<hbm>>
          %dma_wait3A_237 = tpu.memref_slice %arg2[%mul3A_232] : memref<262144xf32, #tpu.memory_space<hbm>> -> memref<64xf32, #tpu.memory_space<hbm>>
          tpu.wait_dma2 semaphore(%run_scoped3A_233 : memref<!tpu.dma_semaphore, #tpu.memory_space<semaphore_mem>>) src(%dma_wait3A_237 : memref<64xf32, #tpu.memory_space<hbm>>) dst(%arg9 : memref<64xf32, #tpu.memory_space<vmem>>)
          tpu.yield
        }) : () -> ()
        %run_scoped3A = arith.constant 9 : i32
        "tpu.region"() ({
          %run_scoped3A_233 = tpu.sem_alloc : memref<!tpu.dma_semaphore, #tpu.memory_space<semaphore_mem>>
          %dma_start3A_234 = arith.constant 0 : i32
          %dma_start3A_235 = tpu.memref_slice %arg3[%run_scoped3A, %dma_start3A_234] : memref<10x64xf32, #tpu.memory_space<hbm>> -> memref<1x64xf32, #tpu.memory_space<hbm>>
          %dma_start3A_236 = tpu.memref_squeeze %dma_start3A_235 : memref<1x64xf32, #tpu.memory_space<hbm>> -> memref<64xf32, #tpu.memory_space<hbm>>
          %dma_start3A_237 = arith.constant 0 : i32
          %dma_start3A_238 = tpu.memref_slice %arg3[%run_scoped3A, %dma_start3A_237] : memref<10x64xf32, #tpu.memory_space<hbm>> -> memref<1x64xf32, #tpu.memory_space<hbm>>
          %dma_start3A_239 = tpu.memref_squeeze %dma_start3A_238 : memref<1x64xf32, #tpu.memory_space<hbm>> -> memref<64xf32, #tpu.memory_space<hbm>>
          tpu.enqueue_dma source(%arg9 : memref<64xf32, #tpu.memory_space<vmem>>) target(%dma_start3A_239 : memref<64xf32, #tpu.memory_space<hbm>>) target_semaphore(%run_scoped3A_233 : memref<!tpu.dma_semaphore, #tpu.memory_space<semaphore_mem>>)
          %dma_wait3A_240 = arith.constant 0 : i32
          %dma_wait3A_241 = tpu.memref_slice %arg3[%run_scoped3A, %dma_wait3A_240] : memref<10x64xf32, #tpu.memory_space<hbm>> -> memref<1x64xf32, #tpu.memory_space<hbm>>
          %dma_wait3A_242 = tpu.memref_squeeze %dma_wait3A_241 : memref<1x64xf32, #tpu.memory_space<hbm>> -> memref<64xf32, #tpu.memory_space<hbm>>
          %dma_wait3A_243 = arith.constant 0 : i32
          %dma_wait3A_244 = tpu.memref_slice %arg3[%run_scoped3A, %dma_wait3A_243] : memref<10x64xf32, #tpu.memory_space<hbm>> -> memref<1x64xf32, #tpu.memory_space<hbm>>
          %dma_wait3A_245 = tpu.memref_squeeze %dma_wait3A_244 : memref<1x64xf32, #tpu.memory_space<hbm>> -> memref<64xf32, #tpu.memory_space<hbm>>
          tpu.wait_dma2 semaphore(%run_scoped3A_233 : memref<!tpu.dma_semaphore, #tpu.memory_space<semaphore_mem>>) src(%arg9 : memref<64xf32, #tpu.memory_space<vmem>>) dst(%dma_wait3A_245 : memref<64xf32, #tpu.memory_space<hbm>>)
          tpu.yield
        }) : () -> ()
      } else {
      }
    } else {
    }
    return
  }
}

</mosaic_0001>

<sc_bundles>
// kernel: kernel.3.cloned.1.call-start
scs
__scs_entry_jumppad:
0x0: {  	(pc) =	sbr.rel $0x88, $3  }
0x1: {  	(tag) =	ssettag $0x0;
	lr =	simm.s32 $0x1  }
0x2: {  	[smem:$0x3FA0] =	sst lr;
	_ =	strace $0xD0000000  }
0x3: {  	_ = 	snop  }
0x4: {  	_ = 	snop  }
0x5: {  	_ = 	snop  }
0x6: {  	_ = 	snop  }
0x7: {  	_ = 	snop  }
__scs_overlays_trampoline_lowered:
0x8: {  	[smem:$0x3FAF] =	sst s0  }
0x9: {  	[smem:$0x3FB0] =	sst s1  }
0xa: {  	[smem:$0x3FB1] =	sst s2  }
0xb: {  	[smem:$0x3FB2] =	sst s3  }
0xc: {  	[smem:$0x3FB3] =	sst s4  }
0xd: {  	[smem:$0x3FB4] =	sst s5  }
0xe: {  	[smem:$0x3FB5] =	sst s6  }
0xf: {  	[smem:$0x3FB6] =	sst s7  }
0x10: {  	[smem:$0x3FB7] =	sst s8  }
0x11: {  	[smem:$0x3FB8] =	sst s9;
	s0 =	simm.s32 @!p0 $0x0  }
0x12: {  	s1 =	sld [smem:$0x3F9E];
	s0 =	simm.s32 @p0 $0x1  }
0x13: {  	[smem:$0x3FB9] =	sst s0;
	s0 =	simm.s32 @!p1 $0x0  }
0x14: {  	s2 =	sld [smem:$0x3F9D];
	s0 =	simm.s32 @p1 $0x1  }
0x15: {  	[smem:$0x3FBA] =	sst s0;
	s0 =	simm.s32 @!p2 $0x0  }
0x16: {  	s3 =	sld [smem:$0x3FDB];
	s0 =	simm.s32 @p2 $0x1  }
0x17: {  	s4 =	simm.s32 $0x1BF5;
	[smem:$0x3FBC] =	sst s0  }
0x18: {  	s0 =	sld [smem:$0x3F9F];
	_ =	swait.ge [sflag:s4], $0x0  }
0x19: {  	s7 =	sld [smem:$0x3FA0]  }
0x1a: {  	s8 =	sadd.s32 $0xFFFFE003, lr  }
0x1b: {  	s9 =	sadd.s32 $0xFFFFFEF7, lr;
	s5 =	simm.s32 $0xFFFFFFFF;
	p2 =	slt.u32 s8, $0xFFFFF086  }
0x1c: {  	p1 =	slt.u32 s9, $0xF7A;
	s5 =	simm.s32 @!p2 $0x0  }
0x1d: {  	s5 =	simm.s32 @p1 $0x1;
	p0 =	seq.s32 s7, s2  }
0x1e: {  	s7 =	smul.u32 @!p0 $0xF7A, s2;
	p2 =	seq.s32 @!p0 s5, $0x0  }
0x1f: {  	s9 =	smul.u32 $0xF7A, s1;
	s8 =	simm.s32 @!p0 $0x1BF5;
	p2 =	por !p2, p0  }
0x20: {  	[sflag:s8] =	ssyncset.s32 @!p0 $0xFFFFF086;
	s6 =	sadd.s32 @!p0 s3, s7;
	s7 =	simm.s32 @!p0 $0x108  }
0x21: {  	s3 =	sadd.s32 s3, s9;
	s6 =	sadd.s32 @!p0 $0x88, s6;
	s7 =	simm.s32 @p2 $0x1082  }
0x22: {  	[simem:s7], [sflag:s8] =	dma.local @!p0 [hbm:s6], $0xF7A  }
0x23: {  	s9 =	sor.u32 $0xD0000000, s2;
	s6 =	simm.s32 $0x108;
	_ =	swait.ge @!p0 [sflag:s8], $0x0  }
0x24: {  	s3 =	sadd.s32 $0x88, s3;
	s6 =	simm.s32 @!p1 $0x1082;
	[sflag:s4] =	ssyncset.s32 $0xFFFFF086  }
0x25: {  	[simem:s6], [sflag:s4] =	dma.local [hbm:s3], $0xF7A  }
0x26: {  	[smem:$0x3FA0] =	sst s1;
	(tag) =	ssettag s2;
	_ =	strace s9  }
0x27: {  	s1 =	sld [smem:$0x3FB0]  }
0x28: {  	s2 =	sld [smem:$0x3FB1]  }
0x29: {  	s4 =	sld [smem:$0x3FB3]  }
0x2a: {  	p0 =	seq.s32 s5, $0x0;
	s5 =	sld [smem:$0x3FB4]  }
0x2b: {  	s6 =	sld [smem:$0x3FB5]  }
0x2c: {  	s7 =	sld [smem:$0x3FB6]  }
0x2d: {  	s3 =	simm.s32 $0x108;
	s8 =	sld [smem:$0x3FB7]  }
0x2e: {  	s3 =	simm.s32 @!p0 $0x1082;
	s9 =	sld [smem:$0x3FB8]  }
0x2f: {  	lr =	sadd.s32 s0, s3;
	s0 =	sld [smem:$0x3FAF]  }
0x30: {  	s3 =	sld [smem:$0x3FB2]  }
0x31: {  	[smem:$0x3FBB] =	sst s10  }
0x32: {  	s10 =	sld [smem:$0x3FB9];
	_ =	sdelay $0x3  }
0x33: {  	p0 =	seq.s32 s10, $0x1;
	s10 =	sld [smem:$0x3FBB];
	_ =	sdelay $0x3  }
0x34: {  	[smem:$0x3FBB] =	sst s10  }
0x35: {  	s10 =	sld [smem:$0x3FBA];
	_ =	sdelay $0x3  }
0x36: {  	p1 =	seq.s32 s10, $0x1;
	s10 =	sld [smem:$0x3FBB];
	_ =	sdelay $0x3  }
0x37: {  	[smem:$0x3FBB] =	sst s10  }
0x38: {  	s10 =	sld [smem:$0x3FBC]  }
0x39: {  	_ = 	snop;
	(pc) =	sbr.ind lr, $3  }
0x3a: {  	_ = 	snop  }
0x3b: {  	_ = 	snop  }
0x3c: {  	p2 =	seq.s32 s10, $0x1;
	s10 =	sld [smem:$0x3FBB]  }
0x3d: {  	_ =	shalt  }
0x3e: {  	_ =	shalt  }
0x3f: {  	_ =	shalt  }
0x40: {  	_ =	shalt  }
0x41: {  	_ =	shalt  }
0x42: {  	_ =	shalt  }
0x43: {  	_ =	shalt  }
0x44: {  	_ =	shalt  }
0x45: {  	_ =	shalt  }
0x46: {  	_ =	shalt  }
0x47: {  	_ =	shalt  }
0x48: {  	_ =	shalt  }
0x49: {  	_ =	shalt  }
0x4a: {  	_ =	shalt  }
0x4b: {  	_ =	shalt  }
0x4c: {  	_ =	shalt  }
0x4d: {  	_ =	shalt  }
0x4e: {  	_ =	shalt  }
0x4f: {  	_ =	shalt  }
0x50: {  	_ =	shalt  }
0x51: {  	_ =	shalt  }
0x52: {  	_ =	shalt  }
0x53: {  	_ =	shalt  }
0x54: {  	_ =	shalt  }
0x55: {  	_ =	shalt  }
0x56: {  	_ =	shalt  }
0x57: {  	_ =	shalt  }
0x58: {  	_ =	shalt  }
0x59: {  	_ =	shalt  }
0x5a: {  	_ =	shalt  }
0x5b: {  	_ =	shalt  }
0x5c: {  	_ =	shalt  }
0x5d: {  	_ =	shalt  }
0x5e: {  	_ =	shalt  }
0x5f: {  	_ =	shalt  }
0x60: {  	_ =	shalt  }
0x61: {  	_ =	shalt  }
0x62: {  	_ =	shalt  }
0x63: {  	_ =	shalt  }
0x64: {  	_ =	shalt  }
0x65: {  	_ =	shalt  }
0x66: {  	_ =	shalt  }
0x67: {  	_ =	shalt  }
0x68: {  	_ =	shalt  }
0x69: {  	_ =	shalt  }
0x6a: {  	_ =	shalt  }
0x6b: {  	_ =	shalt  }
0x6c: {  	_ =	shalt  }
0x6d: {  	_ =	shalt  }
0x6e: {  	_ =	shalt  }
0x6f: {  	_ =	shalt  }
0x70: {  	_ =	shalt  }
0x71: {  	_ =	shalt  }
0x72: {  	_ =	shalt  }
0x73: {  	_ =	shalt  }
0x74: {  	_ =	shalt  }
0x75: {  	_ =	shalt  }
0x76: {  	_ =	shalt  }
0x77: {  	_ =	shalt  }
0x78: {  	_ =	shalt  }
0x79: {  	_ =	shalt  }
0x7a: {  	_ =	shalt  }
0x7b: {  	_ =	shalt  }
0x7c: {  	_ =	shalt  }
0x7d: {  	_ =	shalt  }
0x7e: {  	_ =	shalt  }
0x7f: {  	_ =	shalt  }
0x80: {  	_ =	shalt  }
0x81: {  	_ =	shalt  }
0x82: {  	_ =	shalt  }
0x83: {  	_ =	shalt  }
0x84: {  	_ =	shalt  }
0x85: {  	_ =	shalt  }
0x86: {  	_ =	shalt  }
0x87: {  	_ =	shalt  }
.Lfunc_end0:
.L_simem_size_0:
called_computation_lowered:
.L_overlay_start_0:
0x88: {  	s0 =	sld [smem:$0x3FD9]  }
0x89: {  	s1 =	sld [smem:$0x3FFE];
	_ =	sdelay $0x3  }
0x8a: {  	s0 =	sadd.s32 s1, s0  }
0x8b: {  	[smem:$0x3FC7] =	sst s0  }
0x8c: {  	_ = 	snop  }
0x8d: {  	s0 =	sld [smem:$0x3FD0];
	(tm) =	ssettm $0x1  }
0x8e: {  	s16 =	sld [smem:$0x3FFB];
	_ =	sdelay $0x3  }
0x8f: {  	_ =	strace s16  }
0x90: {  	s1 =	sld [smem:$0x3FFC];
	_ =	sdelay $0x3  }
0x91: {  	_ =	strace s1  }
0x92: {  	s1 =	sld [smem:$0x3FFD];
	_ =	sdelay $0x3  }
0x93: {  	_ =	strace s1  }
0x94: {  	_ =	strace $0x8FFFFFFF  }
0x95: {  	s17 =	sld [smem:$0x3FDB];
	_ =	sdelay $0x1  }
0x96: {  	s2 =	simm.s32 $_scs_section_size  }
0x97: {  	s3 =	simm.s32 $_size__tile_overlayer_lowered;
	s4 =	simm.s32 $_tile_overlayer_lowered  }
0x98: {  	s20 =	simm.s32 $0x1BFF;
	s19 =	sshll.u32 s4, $0x1;
	s1 =	sadd.s32 s2, s17  }
0x99: {  	s5 =	simm.s32 $0x0;
	s18 =	sshll.u32 s3, $0x1;
	s3 =	sadd.s32 s19, s1  }
0x9a: {  	[timem:s5], [sflag:s20] =	dma.local [hbm:s3], s18  }
0x9b: {  	_ =	swait.ge [sflag:s20], s18  }
0x9c: {  	s2 =	ssub.s32 $0x0, s18;
	[sflag:s20] =	ssyncset.done $0x0  }
0x9d: {  	[sflag:s20] =	ssyncadd.s32 s2;
	_ =	sdelay $0x1  }
0x9e: {  	s21 =	simm.s32 $0x1B8B  }
0x9f: {  	_ =	swait.ge [sflag:s21], $0x1  }
0xa0: {  	[sflag:s21] =	ssyncset.done $0x0  }
0xa1: {  	s23 =	simm.s32 $0x1B8E;
	s22 =	sld [smem:$0x3FFE];
	[sflag:s21] =	ssyncadd.s32 $0xFFFFFFFF  }
0xa2: {  	s24 =	simm.s32 $execute0_lowered;
	[smem:$0x3FD2] =	sst s23  }
0xa3: {  	s3 =	sshll.u32 s24, $0x1;
	_ =	strace $0x80000046;
	[dreg:$0x1] =	wrdreg $0xFFFFFFFF  }
0xa4: {  	s25 =	simm.s32 $_size_execute0_lowered;
	s1 =	sadd.s32 s1, s3;
	[dreg:$0x0] =	wrdreg $0x0  }
0xa5: {  	s3 =	sshll.u32 s25, $0x1;
	[dreg:$0x2] =	wrdreg s1  }
0xa6: {  	[dreg:$0x3] =	wrdreg s3  }
0xa7: {  	[dreg:$0x4] =	wrdreg $0xC0  }
0xa8: {  	_ =	task [dreg:s5], $0x5FFFF  }
0xa9: {  	[dreg:$0x1] =	wrdreg $0xFFFFFFFF  }
0xaa: {  	[dreg:$0x0] =	wrdreg $0x60  }
0xab: {  	[dreg:$0x2] =	wrdreg s22  }
0xac: {  	[dreg:$0x3] =	wrdreg s0  }
0xad: {  	[dreg:$0x4] =	wrdreg $0x41100  }
0xae: {  	[dreg:$0x5] =	wrdreg $0x9  }
0xaf: {  	_ =	task.clear_ibuf [dreg:s5], $0x6FFFF;
	_ =	strace $0x90000046  }
0xb0: {  	s26 =	simm.s32 $0x9;
	_ =	strace $0x80000048  }
0xb1: {  	_ =	swait.ge [sflag:s26], $0x1  }
0xb2: {  	[sflag:s26] =	ssyncadd.s32 $0xFFFFFFFF  }
0xb3: {  	_ =	strace $0x90000048  }
0xb4: {  	_ =	sfence  }
0xb5: {  	s28 =	sld [smem:$0x0];
	_ =	sdelay $0x1  }
0xb6: {  	s29 =	srdreg.scid  }
0xb7: {  	s30 =	sshll.u32 s29, $0xD;
	s31 =	sshrl.u32 s29, $0x2  }
0xb8: {  	s2 =	sand.u32 $0x4000, s30;
	s1 =	sand.u32 $0x1, s29;
	s0 =	sadd.s32 s31, s28  }
0xb9: {  	s1 =	sor.u32 s2, s1;
	s0 =	sshll.u32 s0, $0x11  }
0xba: {  	s0 =	sor.u32 s0, s1  }
0xbb: {  	s0 =	sadd.s32 $0x8F2B, s0  }
0xbc: {  	[sflag:s0] =	ssyncadd.remote.s32 $0x1  }
0xbd: {  	_ =	sfence.sel $0xFFFF  }
0xbe: {  	[dreg:$0x0] =	wrdreg $0xFFFFFFFF;
	(pc) =	sbr.abs _section_cstart, $3  }
0xbf: {  	[dreg:$0x1] =	wrdreg $0xFFFFFFFF  }
0xc0: {  	_ =	task.clear_ibuf [dreg:s5], $0x2FFFF;
	_ =	strace $0x9FFFFFFF  }
0xc1: {  	(tm) =	ssettm $0x7FFFFFFF  }
tec
execute0_lowered:
.L_overlay_start_1:
0x0: {  	(tag) =	ssettag $0x1  }
0x1: {  	s2 =	rddreg [dreg:$0x0]  }
0x2: {  	s13 =	rddreg [dreg:$0x1]  }
0x3: {  	s14 =	rddreg [dreg:$0x2]  }
0x4: {  	s0 =	rddreg [dreg:$0x3];
	s4 =	simm.s32 $0x0;
	s1 =	stileid.u32  }
0x5: {  	[smem:$0x7FF] =	sst s4;
	s2 =	sadd.s32 $0x400, s2;
	s3 =	sshll.u32 s1, $0x8  }
0x6: {  	s5 =	sshll.u32 s1, $0xB;
	s15 =	sshll.u32 s1, $0x4;
	p0 =	sgt.s32 s1, $0x6  }
.Ltmp0:
0x7: {  	s12 =	sadd.s32 $0x8, s13;
	s11 =	sadd.s32 $0x10, s13;
	(pc) =	sbr.rel @p0 .LBB2_9-.Ltmp0, $4  }
0x8: {  	s10 =	sadd.s32 $0x18, s13;
	s9 =	sadd.s32 $0x20, s13;
	s8 =	sadd.s32 $0x28, s13  }
0x9: {  	s7 =	sadd.s32 $0x30, s13;
	_ =	strace $0x80000047;
	s5 =	sadd.s32 s2, s5  }
0xa: {  	[tilespmem:s4], [sflag:$0x1] =	stream.linear.gather [hbm4b:s5+s4], $0x4000, $0x38;
	[tilespmem:$0x4260] =	vst v63  }
0xb: {  	v0 =	vlaneseq.u32;
	s6 =	sadd.s32 $0x38, s13;
	s5 =	sadd.s32 $0x40, s13;
	s4 =	sadd.s32 $0x48, s13  }
0xc: {  	p0 =	sgt.s32 s1, $0x2  }
.Ltmp1:
0xd: {  	_ = 	snop;
	(pc) =	sbr.rel @!p0 .LBB2_2-.Ltmp1, $1  }
0xe: {  	_ =	sdelay $0x3  }
0xf: {  	p0 =	seq.s32 s1, $0x3  }
.Ltmp2:
0x10: {  	_ = 	snop;
	(pc) =	sbr.rel @p0 .LBB2_18-.Ltmp2, $1  }
0x11: {  	_ =	sdelay $0x3  }
0x12: {  	p0 =	seq.s32 s1, $0x4  }
.Ltmp3:
0x13: {  	_ = 	snop;
	(pc) =	sbr.rel @p0 .LBB2_19-.Ltmp3, $1  }
0x14: {  	_ =	sdelay $0x3  }
0x15: {  	p0 =	seq.s32 s1, $0x6  }
.Ltmp4:
0x16: {  	_ = 	snop;
	(pc) =	sbr.rel @!p0 .LBB2_24-.Ltmp4, $1  }
0x17: {  	_ =	sdelay $0x3  }
.Ltmp5:
0x18: {  	(pc) =	sbr.rel .LBB2_23-.Ltmp5, $3  }
0x19: {  	_ =	sdelay $0x1  }
0x1a: {  	s16 =	sadd.s32 $0x3320, s2;
	s17 =	simm.s32 $0x1D82  }
0x1b: {  	[hbm:s9], [sflag:s17] =	dma.local [hbm:s16], $0x8  }
.LBB2_9:
0x1c: {  	p0 =	sgt.s32 s1, $0xA  }
.Ltmp6:
0x1d: {  	_ = 	snop;
	(pc) =	sbr.rel @!p0 .LBB2_10-.Ltmp6, $1  }
0x1e: {  	_ =	sdelay $0x3  }
0x1f: {  	p0 =	seq.s32 s1, $0xB  }
.Ltmp7:
0x20: {  	_ = 	snop;
	(pc) =	sbr.rel @p0 .LBB2_21-.Ltmp7, $1  }
0x21: {  	_ =	sdelay $0x3  }
0x22: {  	p0 =	seq.s32 s1, $0xC  }
.Ltmp8:
0x23: {  	_ = 	snop;
	(pc) =	sbr.rel @p0 .LBB2_22-.Ltmp8, $1  }
0x24: {  	_ =	sdelay $0x3  }
0x25: {  	p0 =	seq.s32 s1, $0xE  }
.Ltmp9:
0x26: {  	_ = 	snop;
	(pc) =	sbr.rel @!p0 .LBB2_24-.Ltmp9, $1  }
0x27: {  	_ =	sdelay $0x3  }
.Ltmp10:
0x28: {  	(pc) =	sbr.rel .LBB2_23-.Ltmp10, $3  }
0x29: {  	_ =	sdelay $0x1  }
0x2a: {  	s16 =	sadd.s32 $0x7308, s2;
	s17 =	simm.s32 $0x1F82  }
0x2b: {  	[hbm:s4], [sflag:s17] =	dma.local [hbm:s16], $0x8  }
.LBB2_2:
0x2c: {  	p0 =	seq.s32 s1, $0x0  }
.Ltmp11:
0x2d: {  	_ = 	snop;
	(pc) =	sbr.rel @p0 .LBB2_17-.Ltmp11, $1  }
0x2e: {  	_ =	sdelay $0x3  }
0x2f: {  	p0 =	seq.s32 s1, $0x1  }
.Ltmp12:
0x30: {  	_ = 	snop;
	(pc) =	sbr.rel @!p0 .LBB2_24-.Ltmp12, $1  }
0x31: {  	_ =	sdelay $0x3  }
.Ltmp13:
0x32: {  	(pc) =	sbr.rel .LBB2_23-.Ltmp13, $3  }
0x33: {  	_ =	sdelay $0x1  }
0x34: {  	s16 =	sadd.s32 $0xCC8, s2;
	s17 =	simm.s32 $0x1C42  }
0x35: {  	[hbm:s12], [sflag:s17] =	dma.local [hbm:s16], $0x8  }
.LBB2_10:
0x36: {  	p0 =	seq.s32 s1, $0x7  }
.Ltmp14:
0x37: {  	_ = 	snop;
	(pc) =	sbr.rel @p0 .LBB2_20-.Ltmp14, $1  }
0x38: {  	_ =	sdelay $0x3  }
0x39: {  	p0 =	seq.s32 s1, $0x9  }
.Ltmp15:
0x3a: {  	_ = 	snop;
	(pc) =	sbr.rel @!p0 .LBB2_24-.Ltmp15, $1  }
0x3b: {  	_ =	sdelay $0x3  }
.Ltmp16:
0x3c: {  	(pc) =	sbr.rel .LBB2_23-.Ltmp16, $3  }
0x3d: {  	_ =	sdelay $0x1  }
0x3e: {  	s16 =	sadd.s32 $0x4CB0, s2;
	s17 =	simm.s32 $0x1E42  }
0x3f: {  	[hbm:s7], [sflag:s17] =	dma.local [hbm:s16], $0x8  }
.LBB2_17:
.Ltmp17:
0x40: {  	(pc) =	sbr.rel .LBB2_23-.Ltmp17, $3  }
0x41: {  	_ =	sdelay $0x1  }
0x42: {  	s16 =	simm.s32 $0x1C02  }
0x43: {  	[hbm:s13], [sflag:s16] =	dma.local [hbm:s2], $0x8  }
.LBB2_20:
.Ltmp18:
0x44: {  	(pc) =	sbr.rel .LBB2_23-.Ltmp18, $3  }
0x45: {  	_ =	sdelay $0x1  }
0x46: {  	s16 =	sadd.s32 $0x3FE8, s2;
	s17 =	simm.s32 $0x1DC2  }
0x47: {  	[hbm:s8], [sflag:s17] =	dma.local [hbm:s16], $0x8  }
.LBB2_18:
.Ltmp19:
0x48: {  	(pc) =	sbr.rel .LBB2_23-.Ltmp19, $3  }
0x49: {  	_ =	sdelay $0x1  }
0x4a: {  	s16 =	sadd.s32 $0x1990, s2;
	s17 =	simm.s32 $0x1CC2  }
0x4b: {  	[hbm:s11], [sflag:s17] =	dma.local [hbm:s16], $0x8  }
.LBB2_21:
.Ltmp20:
0x4c: {  	(pc) =	sbr.rel .LBB2_23-.Ltmp20, $3  }
0x4d: {  	_ =	sdelay $0x1  }
0x4e: {  	s16 =	sadd.s32 $0x5978, s2;
	s17 =	simm.s32 $0x1EC2  }
0x4f: {  	[hbm:s6], [sflag:s17] =	dma.local [hbm:s16], $0x8  }
.LBB2_19:
.Ltmp21:
0x50: {  	(pc) =	sbr.rel .LBB2_23-.Ltmp21, $3  }
0x51: {  	_ =	sdelay $0x1  }
0x52: {  	s16 =	sadd.s32 $0x2658, s2;
	s17 =	simm.s32 $0x1D02  }
0x53: {  	[hbm:s10], [sflag:s17] =	dma.local [hbm:s16], $0x8  }
.LBB2_22:
0x54: {  	s16 =	sadd.s32 $0x6640, s2;
	s17 =	simm.s32 $0x1F02  }
0x55: {  	[hbm:s5], [sflag:s17] =	dma.local [hbm:s16], $0x8  }
.LBB2_23:
0x56: {  	s16 =	simm.s32 $0x2  }
0x57: {  	_ =	swait.ge [sflag:s16], $0x8  }
0x58: {  	[sflag:s16] =	ssyncset.done $0x0  }
0x59: {  	[sflag:s16] =	ssyncadd.s32 $0xFFFFFFF8  }
.LBB2_24:
0x5a: {  	s16 =	simm.s32 $0x1  }
0x5b: {  	_ =	swait.ge [sflag:s16], $0x4000  }
0x5c: {  	[sflag:s16] =	ssyncset.done $0x0  }
0x5d: {  	[sflag:s16] =	ssyncadd.s32 $0xFFFFC000;
	s16 =	simm.s32 $0x0  }
0x5e: {  	v7 =	vld [tilespmem:s16+$0x380]  }
0x5f: {  	v8 =	vld [tilespmem:s16+$0x390]  }
0x60: {  	v9 =	vld [tilespmem:s16+$0x3A0]  }
0x61: {  	v10 =	vld [tilespmem:s16+$0x3B0]  }
0x62: {  	v1 =	vld [tilespmem:s16+$0x3C0]  }
0x63: {  	v2 =	vld [tilespmem:s16+$0x3D0]  }
0x64: {  	v15 =	vld [tilespmem:s16+$0x300]  }
0x65: {  	v17 =	vld [tilespmem:s16+$0x310]  }
0x66: {  	v14 =	vld [tilespmem:s16+$0x320]  }
0x67: {  	v16 =	vld [tilespmem:s16+$0x330]  }
0x68: {  	v3 =	vld [tilespmem:s16+$0x340]  }
0x69: {  	v4 =	vld [tilespmem:s16+$0x350]  }
0x6a: {  	v18 =	vld [tilespmem:s16+$0x280]  }
0x6b: {  	v19 =	vld [tilespmem:s16+$0x290]  }
0x6c: {  	v20 =	vld [tilespmem:s16+$0x2A0]  }
0x6d: {  	v25 =	vld [tilespmem:s16+$0x2B0]  }
0x6e: {  	v5 =	vld [tilespmem:s16+$0x2C0]  }
0x6f: {  	v6 =	vld [tilespmem:s16+$0x2D0]  }
0x70: {  	v22 =	vld [tilespmem:s16+$0x200]  }
0x71: {  	v23 =	vld [tilespmem:s16+$0x210]  }
0x72: {  	v24 =	vld [tilespmem:s16+$0x220]  }
0x73: {  	v31 =	vld [tilespmem:s16+$0x230]  }
0x74: {  	v11 =	vld [tilespmem:s16+$0x240]  }
0x75: {  	v28 =	vld [tilespmem:s16+$0x180]  }
0x76: {  	v29 =	vld [tilespmem:s16+$0x190]  }
0x77: {  	v26 =	vld [tilespmem:s16+$0x100]  }
0x78: {  	v27 =	vld [tilespmem:s16+$0x110]  }
0x79: {  	v12 =	vld [tilespmem:s16+$0x80]  }
0x7a: {  	v21 =	vld [tilespmem:s16+$0x90]  }
0x7b: {  	v30 =	vld [tilespmem:s16+$0x0]  }
0x7c: {  	v32 =	vld [tilespmem:s16+$0x10]  }
0x7d: {  	v33 =	vld [tilespmem:s16+$0x20]  }
0x7e: {  	v34 =	vld [tilespmem:s16+$0x30]  }
0x7f: {  	v35 =	vld [tilespmem:s16+$0xA0]  }
0x80: {  	v36 =	vld [tilespmem:s16+$0xB0]  }
0x81: {  	v13 =	vimm.f32 $0.0e+00;
	v37 =	vld [tilespmem:s16+$0x120]  }
0x82: {  	v38 =	vld [tilespmem:s16+$0x130];
	v30 =	vadd.f32 v30, v13;
	v32 =	vadd.f32 v32, v13  }
0x83: {  	v39 =	vld [tilespmem:s16+$0x1A0];
	v33 =	vadd.f32 v33, v13;
	v34 =	vadd.f32 v34, v13  }
0x84: {  	v40 =	vld [tilespmem:s16+$0x1B0];
	v30 =	vadd.f32 v12, v30;
	v32 =	vadd.f32 v21, v32  }
0x85: {  	v12 =	vld [tilespmem:s16+$0x250];
	v33 =	vadd.f32 v35, v33;
	v34 =	vadd.f32 v36, v34  }
0x86: {  	v21 =	vld [tilespmem:s16+$0x1C0];
	v30 =	vadd.f32 v26, v30;
	v32 =	vadd.f32 v27, v32  }
0x87: {  	v26 =	vld [tilespmem:s16+$0x1D0];
	v33 =	vadd.f32 v37, v33;
	v34 =	vadd.f32 v38, v34  }
0x88: {  	v27 =	vld [tilespmem:s16+$0x140];
	v30 =	vadd.f32 v28, v30;
	v32 =	vadd.f32 v29, v32  }
0x89: {  	v28 =	vld [tilespmem:s16+$0x150];
	v33 =	vadd.f32 v39, v33;
	v34 =	vadd.f32 v40, v34  }
0x8a: {  	v29 =	vld [tilespmem:s16+$0xC0];
	v22 =	vadd.f32 v22, v30;
	v23 =	vadd.f32 v23, v32  }
0x8b: {  	v30 =	vld [tilespmem:s16+$0xD0];
	v24 =	vadd.f32 v24, v33;
	v63 =	vadd.f32 v31, v34  }
0x8c: {  	v31 =	vld [tilespmem:s16+$0x40];
	v22 =	vadd.f32 v18, v22;
	v23 =	vadd.f32 v19, v23  }
0x8d: {  	v0 =	vor.u32 s3, v0;
	v32 =	vld [tilespmem:s16+$0x50];
	v24 =	vadd.f32 v20, v24;
	v25 =	vadd.f32 v25, v63  }
0x8e: {  	s15 =	sadd.s32 s15, s14;
	s17 =	simm.s32 $0x1000;
	v33 =	vld [tilespmem:s16+$0x60];
	v20 =	vimm.f32 $0.0e+00;
	v18 =	vimm.f32 $0.0e+00;
	v19 =	vimm.f32 $0.0e+00  }
.LBB2_25:
0x8f: {  	p0 =	sne.s32 s17, $0xF000;
	v34 =	vld [tilespmem:s16+$0x70];
	v15 =	vadd.f32 v15, v22;
	v17 =	vadd.f32 v17, v23  }
0x90: {  	v35 =	vld [tilespmem:s16+$0xE0];
	v14 =	vadd.f32 v14, v24;
	v16 =	vadd.f32 v16, v25  }
0x91: {  	v36 =	vld [tilespmem:s16+$0xF0];
	v22 =	vadd.f32 v7, v15;
	v23 =	vadd.f32 v8, v17  }
0x92: {  	v7 =	vld [tilespmem:s16+$0x160];
	v24 =	vadd.f32 v9, v14;
	v25 =	vadd.f32 v10, v16  }
0x93: {  	v8 =	vadd.f32 v31, v13;
	v9 =	vadd.f32 v32, v20;
	v10 =	vld [tilespmem:s16+$0x170]  }
0x94: {  	v13 =	vadd.f32 v33, v18;
	v14 =	vadd.f32 v34, v19;
	v15 =	vld [tilespmem:s16+$0x1E0]  }
0x95: {  	v8 =	vadd.f32 v29, v8;
	v9 =	vadd.f32 v30, v9;
	v16 =	vld [tilespmem:s16+$0x1F0]  }
0x96: {  	v13 =	vadd.f32 v35, v13;
	v14 =	vadd.f32 v36, v14;
	v17 =	vld [tilespmem:s16+$0x260]  }
0x97: {  	v8 =	vadd.f32 v27, v8;
	v9 =	vadd.f32 v28, v9;
	v18 =	vld [tilespmem:s16+$0x270]  }
0x98: {  	v7 =	vadd.f32 v7, v13;
	v10 =	vadd.f32 v10, v14;
	v13 =	vld [tilespmem:s16+$0x2E0]  }
0x99: {  	v8 =	vadd.f32 v21, v8;
	v9 =	vadd.f32 v26, v9;
	v14 =	vld [tilespmem:s16+$0x2F0]  }
0x9a: {  	v7 =	vadd.f32 v15, v7;
	v10 =	vadd.f32 v16, v10;
	v15 =	vld [tilespmem:s16+$0x360]  }
0x9b: {  	v8 =	vadd.f32 v11, v8;
	v9 =	vadd.f32 v12, v9;
	v11 =	vld [tilespmem:s16+$0x370]  }
0x9c: {  	v12 =	vadd.f32 v17, v7;
	v10 =	vadd.f32 v18, v10;
	v16 =	vld [tilespmem:s16+$0x3E0]  }
0x9d: {  	v5 =	vadd.f32 v5, v8;
	v6 =	vadd.f32 v6, v9;
	v17 =	vld [tilespmem:s16+$0x3F0];
	s16 =	sshra.s32 s17, $0x2  }
0x9e: {  	v12 =	vadd.f32 v13, v12;
	v7 =	vld [tilespmem:s16+$0x380];
	v10 =	vadd.f32 v14, v10  }
0x9f: {  	v3 =	vadd.f32 v3, v5;
	v4 =	vadd.f32 v4, v6;
	v8 =	vld [tilespmem:s16+$0x390]  }
0xa0: {  	v5 =	vadd.f32 v15, v12;
	v9 =	vld [tilespmem:s16+$0x3A0];
	v6 =	vadd.f32 v11, v10  }
0xa1: {  	v13 =	vadd.f32 v1, v3;
	v20 =	vadd.f32 v2, v4;
	v10 =	vld [tilespmem:s16+$0x3B0]  }
0xa2: {  	v18 =	vadd.f32 v16, v5;
	v1 =	vld [tilespmem:s16+$0x3C0];
	v19 =	vadd.f32 v17, v6  }
0xa3: {  	v2 =	vld [tilespmem:s16+$0x3D0]  }
0xa4: {  	v15 =	vld [tilespmem:s16+$0x300]  }
0xa5: {  	v17 =	vld [tilespmem:s16+$0x310]  }
0xa6: {  	v14 =	vld [tilespmem:s16+$0x320]  }
0xa7: {  	v16 =	vld [tilespmem:s16+$0x330]  }
0xa8: {  	v3 =	vld [tilespmem:s16+$0x340]  }
0xa9: {  	v4 =	vld [tilespmem:s16+$0x350]  }
0xaa: {  	v33 =	vld [tilespmem:s16+$0x280]  }
0xab: {  	v34 =	vld [tilespmem:s16+$0x290]  }
0xac: {  	v35 =	vld [tilespmem:s16+$0x2A0]  }
0xad: {  	v36 =	vld [tilespmem:s16+$0x2B0]  }
0xae: {  	v5 =	vld [tilespmem:s16+$0x2C0]  }
0xaf: {  	v6 =	vld [tilespmem:s16+$0x2D0]  }
0xb0: {  	v31 =	vld [tilespmem:s16+$0x200]  }
0xb1: {  	v32 =	vld [tilespmem:s16+$0x210]  }
0xb2: {  	v37 =	vld [tilespmem:s16+$0x220]  }
0xb3: {  	v38 =	vld [tilespmem:s16+$0x230]  }
0xb4: {  	v11 =	vld [tilespmem:s16+$0x240]  }
0xb5: {  	v12 =	vld [tilespmem:s16+$0x250]  }
0xb6: {  	v29 =	vld [tilespmem:s16+$0x180]  }
0xb7: {  	v30 =	vld [tilespmem:s16+$0x190]  }
0xb8: {  	v26 =	vld [tilespmem:s16+$0x100]  }
0xb9: {  	v27 =	vld [tilespmem:s16+$0x110]  }
0xba: {  	v21 =	vld [tilespmem:s16+$0x80]  }
0xbb: {  	v28 =	vld [tilespmem:s16+$0x90]  }
0xbc: {  	v39 =	vld [tilespmem:s16+$0x0]  }
0xbd: {  	v40 =	vld [tilespmem:s16+$0x10]  }
0xbe: {  	v41 =	vld [tilespmem:s16+$0x20]  }
0xbf: {  	v42 =	vld [tilespmem:s16+$0x30]  }
0xc0: {  	v43 =	vld [tilespmem:s16+$0xA0]  }
0xc1: {  	v44 =	vld [tilespmem:s16+$0xB0]  }
0xc2: {  	v45 =	vld [tilespmem:s16+$0x120]  }
0xc3: {  	v22 =	vadd.f32 v39, v22;
	v23 =	vadd.f32 v40, v23;
	v39 =	vld [tilespmem:s16+$0x130]  }
0xc4: {  	v24 =	vadd.f32 v41, v24;
	v25 =	vadd.f32 v42, v25;
	v40 =	vld [tilespmem:s16+$0x1A0]  }
0xc5: {  	v22 =	vadd.f32 v21, v22;
	v23 =	vadd.f32 v28, v23;
	v41 =	vld [tilespmem:s16+$0x1B0]  }
0xc6: {  	v24 =	vadd.f32 v43, v24;
	v25 =	vadd.f32 v44, v25;
	v21 =	vld [tilespmem:s16+$0x1C0]  }
0xc7: {  	v22 =	vadd.f32 v26, v22;
	v23 =	vadd.f32 v27, v23;
	v26 =	vld [tilespmem:s16+$0x1D0]  }
0xc8: {  	v24 =	vadd.f32 v45, v24;
	v25 =	vadd.f32 v39, v25;
	v27 =	vld [tilespmem:s16+$0x140]  }
0xc9: {  	v22 =	vadd.f32 v29, v22;
	v23 =	vadd.f32 v30, v23;
	v28 =	vld [tilespmem:s16+$0x150]  }
.Ltmp22:
0xca: {  	v24 =	vadd.f32 v40, v24;
	v29 =	vld [tilespmem:s16+$0xC0];
	v25 =	vadd.f32 v41, v25;
	(pc) =	sbr.rel @p0 .LBB2_25-.Ltmp22, $4  }
0xcb: {  	v22 =	vadd.f32 v31, v22;
	v23 =	vadd.f32 v32, v23;
	v30 =	vld [tilespmem:s16+$0xD0]  }
0xcc: {  	v24 =	vadd.f32 v37, v24;
	v31 =	vld [tilespmem:s16+$0x40];
	v25 =	vadd.f32 v38, v25  }
0xcd: {  	v22 =	vadd.f32 v33, v22;
	v23 =	vadd.f32 v34, v23;
	v32 =	vld [tilespmem:s16+$0x50]  }
0xce: {  	s17 =	sadd.s32 $0x1000, s17;
	v24 =	vadd.f32 v35, v24;
	v33 =	vld [tilespmem:s16+$0x60];
	v25 =	vadd.f32 v36, v25  }
0xcf: {  	v34 =	vld [tilespmem:s16+$0x70];
	v15 =	vadd.f32 v15, v22;
	v17 =	vadd.f32 v17, v23  }
0xd0: {  	v61 =	vld [tilespmem:s16+$0xE0];
	v14 =	vadd.f32 v14, v24;
	v16 =	vadd.f32 v16, v25  }
0xd1: {  	v62 =	vld [tilespmem:s16+$0xF0];
	v7 =	vadd.f32 v7, v15;
	v8 =	vadd.f32 v8, v17  }
0xd2: {  	v63 =	vld [tilespmem:s16+$0x160];
	v13 =	vadd.f32 v31, v13;
	v9 =	vadd.f32 v9, v14  }
0xd3: {  	v25 =	vld [tilespmem:s16+$0x170];
	v10 =	vadd.f32 v10, v16;
	v24 =	vadd.f32 v32, v20  }
0xd4: {  	v31 =	vadd.f32 v33, v18;
	v33 =	vld [tilespmem:s16+$0x1E0];
	v32 =	vadd.f32 v34, v19  }
0xd5: {  	v13 =	vadd.f32 v29, v13;
	v14 =	vadd.f32 v30, v24;
	v34 =	vld [tilespmem:s16+$0x1F0]  }
0xd6: {  	v35 =	vld [tilespmem:s16+$0x260];
	v17 =	vadd.f32 v61, v31;
	v18 =	vadd.f32 v62, v32  }
0xd7: {  	v36 =	vld [tilespmem:s16+$0x270];
	v13 =	vadd.f32 v27, v13;
	v14 =	vadd.f32 v28, v14  }
0xd8: {  	v37 =	vld [tilespmem:s16+$0x2E0];
	v15 =	vadd.f32 v63, v17;
	v16 =	vadd.f32 v25, v18  }
0xd9: {  	v38 =	vld [tilespmem:s16+$0x2F0];
	v13 =	vadd.f32 v21, v13;
	v14 =	vadd.f32 v26, v14  }
0xda: {  	v39 =	vld [tilespmem:s16+$0x360];
	v15 =	vadd.f32 v33, v15;
	v16 =	vadd.f32 v34, v16  }
0xdb: {  	v40 =	vld [tilespmem:s16+$0x370];
	v11 =	vadd.f32 v11, v13;
	v12 =	vadd.f32 v12, v14  }
0xdc: {  	v43 =	vld [tilespmem:s16+$0x3E0];
	v41 =	vadd.f32 v35, v15;
	v42 =	vadd.f32 v36, v16  }
0xdd: {  	v44 =	vld [tilespmem:s16+$0x3F0];
	v5 =	vadd.f32 v5, v11;
	v6 =	vadd.f32 v6, v12  }
0xde: {  	v45 =	vadd.f32 v37, v41;
	v46 =	vadd.f32 v38, v42  }
0xdf: {  	v3 =	vadd.f32 v3, v5;
	v4 =	vadd.f32 v4, v6  }
0xe0: {  	v47 =	vadd.f32 v39, v45;
	v48 =	vadd.f32 v40, v46  }
0xe1: {  	v1 =	vadd.f32 v1, v3;
	v2 =	vadd.f32 v2, v4  }
0xe2: {  	v3 =	vadd.f32 v43, v47;
	v49 =	vadd.f32 v44, v48  }
0xe3: {  	v50 =	vadd.f32 v8, v7;
	v51 =	vadd.f32 v10, v9  }
0xe4: {  	v1 =	vadd.f32 v2, v1;
	v2 =	vadd.f32 v49, v3;
	_ =	sdelay $0x1  }
0xe5: {  	v3 =	vadd.f32 v51, v50;
	v1 =	vadd.f32 v2, v1;
	_ =	sdelay $0x1  }
0xe6: {  	v1 =	vadd.f32 v1, v3;
	_ =	sdelay $0x1  }
0xe7: {  	vm0 =	vne.f32 v1, v1;
	v1 =	vimm.s32 $0x0  }
0xe8: {  	v2 =	vsel vm0, $0x1, v1  }
0xe9: {  	(xrf0) =	vadd.scan.msk.s32 $0xffff, v2;
	_ =	sdelay $0x5  }
0xea: {  	v2, _, _ =	vpop (xrf0)  }
0xeb: {  	v2 =	vbroadcast v2, $0xF;
	_ =	sdelay $0x1  }
0xec: {  	s29 =	simm.s32 $0x4100;
	s30 =	simm.s32 $0x2;
	[tilespmem:$0x4100] =	vst v2  }
0xed: {  	[spmem:s15] =	stream.linear.scatter [tilespmem:s29], [sflag:$0x2], $0x10, $0x38;
	[tilespmem:$0x4260] =	vst v63  }
0xee: {  	_ =	swait.ge [sflag:s30], $0x10  }
0xef: {  	[sflag:s30] =	ssyncset.done $0x0  }
0xf0: {  	[sflag:s30] =	ssyncadd.s32 $0xFFFFFFF0  }
0xf1: {  	s17 =	simm.s32 $0x4120;
	[bflag:$0x0] =	sbarrier.arrive $0xFFFF  }
0xf2: {  	[tilespmem:s17], [sflag:$0x2] =	stream.linear.gather [spmem:s14], $0x100, $0x38;
	[tilespmem:$0x4260] =	vst v63  }
0xf3: {  	_ =	swait.ge [sflag:s30], $0x100  }
0xf4: {  	[sflag:s30] =	ssyncset.done $0x0  }
0xf5: {  	[sflag:s30] =	ssyncadd.s32 $0xFFFFFF00  }
0xf6: {  	v2 =	vld [tilespmem:$0x4120]  }
0xf7: {  	v3 =	vld [tilespmem:$0x4130]  }
0xf8: {  	v52 =	vld [tilespmem:$0x4140]  }
0xf9: {  	v53 =	vld [tilespmem:$0x4150]  }
0xfa: {  	v54 =	vld [tilespmem:$0x4160]  }
0xfb: {  	v55 =	vld [tilespmem:$0x4170]  }
0xfc: {  	v2 =	vadd.s32 v2, v3;
	v3 =	vld [tilespmem:$0x4180]  }
0xfd: {  	v56 =	vld [tilespmem:$0x4190];
	v2 =	vadd.s32 v2, v52  }
0xfe: {  	v57 =	vld [tilespmem:$0x41A0];
	v2 =	vadd.s32 v2, v53  }
0xff: {  	v58 =	vld [tilespmem:$0x41B0];
	v2 =	vadd.s32 v2, v54  }
0x100: {  	v59 =	vld [tilespmem:$0x41C0];
	v2 =	vadd.s32 v2, v55  }
0x101: {  	v2 =	vadd.s32 v2, v3;
	v3 =	vld [tilespmem:$0x41D0]  }
0x102: {  	v60 =	vld [tilespmem:$0x41E0];
	v2 =	vadd.s32 v2, v56  }
0x103: {  	v61 =	vld [tilespmem:$0x41F0];
	v2 =	vadd.s32 v2, v57  }
0x104: {  	v62 =	vld [tilespmem:$0x4200];
	v2 =	vadd.s32 v2, v58  }
0x105: {  	v63 =	vld [tilespmem:$0x4210];
	v2 =	vadd.s32 v2, v59  }
0x106: {  	v2 =	vadd.s32 v2, v3  }
0x107: {  	v2 =	vadd.s32 v2, v60  }
0x108: {  	v2 =	vadd.s32 v2, v61  }
0x109: {  	v2 =	vadd.s32 v2, v62  }
0x10a: {  	vm15 =	vmmov $0x1;
	v2 =	vadd.s32 v2, v63  }
0x10b: {  	v2 =	vnsel vm15, $0x0, v2  }
0x10c: {  	(xrf0) =	vadd.scan.msk.s32 $0xffff, v2;
	_ =	sdelay $0x5  }
0x10d: {  	v2, _, _ =	vpop (xrf0)  }
0x10e: {  	(v2sf) =	vpush v2, $0xF;
	_ =	sdelay $0xe  }
0x10f: {  	s31 =	spop (v2sf)  }
0x110: {  	p0 =	seq.s32 s31, $0x0  }
.Ltmp23:
0x111: {  	_ = 	snop;
	(pc) =	sbr.rel @p0 .LBB2_36-.Ltmp23, $1  }
0x112: {  	_ =	sdelay $0x3  }
0x113: {  	s16 =	simm.s32 $0x0;
	s17 =	simm.s32 $0x20;
	v3 =	vlaneseq.u32;
	v2 =	vimm.s32 $0x0  }
.LBB2_28:
0x114: {  	v4 =	vld [tilespmem:s17+$0xFFFFFFE0]  }
0x115: {  	v5 =	vld [tilespmem:s17+$0xFFFFFFF0]  }
0x116: {  	v6 =	vld [tilespmem:s17+$0x0]  }
0x117: {  	v7 =	vld [tilespmem:s17+$0x10];
	s18 =	sadd.s32 $0x40, s17  }
0x118: {  	v8 =	vld [tilespmem:s18+$0xFFFFFFE0]  }
0x119: {  	v9 =	vld [tilespmem:s18+$0xFFFFFFF0];
	s19 =	sadd.s32 $0x40, s18  }
0x11a: {  	v10 =	vld [tilespmem:s19+$0xFFFFFFE0]  }
0x11b: {  	v11 =	vld [tilespmem:s19+$0xFFFFFFF0]  }
0x11c: {  	v12 =	vld [tilespmem:s18+$0x0]  }
0x11d: {  	v13 =	vld [tilespmem:s19+$0x0];
	v4 =	vadd.f32 v5, v4  }
0x11e: {  	v5 =	vld [tilespmem:s18+$0x10]  }
0x11f: {  	s31 =	sadd.s32 $0x40, s19;
	v8 =	vadd.f32 v9, v8;
	v9 =	vld [tilespmem:s19+$0x10];
	v4 =	vadd.f32 v6, v4  }
0x120: {  	v6 =	vadd.f32 v11, v10;
	v10 =	vld [tilespmem:s31+$0xFFFFFFE0]  }
0x121: {  	v8 =	vadd.f32 v12, v8;
	v4 =	vadd.f32 v7, v4;
	v7 =	vld [tilespmem:s31+$0xFFFFFFF0];
	_ =	sdelay $0x1  }
0x122: {  	v6 =	vadd.f32 v13, v6;
	v5 =	vadd.f32 v5, v8;
	v8 =	vld [tilespmem:s31+$0x0]  }
0x123: {  	vm0 =	vne.f32 v4, v4  }
0x124: {  	v4 =	vadd.f32 v9, v6;
	v9 =	vsel vm0, $0x1, v1  }
0x125: {  	(xrf0) =	vadd.scan.msk.s32 $0xffff, v9;
	v7 =	vadd.f32 v7, v10  }
0x126: {  	v6 =	vld [tilespmem:s31+$0x10]  }
0x127: {  	vm13 =	vne.f32 v5, v5;
	v7 =	vadd.f32 v8, v7  }
0x128: {  	v9 =	vsel vm13, $0x1, v1;
	vm14 =	vne.f32 v4, v4  }
0x129: {  	(xrf0) =	vadd.scan.msk.s32 $0xffff, v9;
	v9 =	vsel vm14, $0x1, v1  }
0x12a: {  	(xrf0) =	vadd.scan.msk.s32 $0xffff, v9  }
0x12b: {  	v6 =	vadd.f32 v6, v7;
	v7, _, _ =	vpop (xrf0)  }
0x12c: {  	(v2sf) =	vpush v7, $0xF  }
0x12d: {  	s18 =	sadd.s32 $0x40, s31  }
0x12e: {  	v5 =	vld [tilespmem:s18+$0xFFFFFFE0]  }
0x12f: {  	v4 =	vld [tilespmem:s18+$0xFFFFFFF0];
	v7, _, _ =	vpop (xrf0)  }
0x130: {  	(v2sf) =	vpush v7, $0xF;
	v10, _, _ =	vpop (xrf0)  }
0x131: {  	v9 =	vld [tilespmem:s18+$0x0];
	(v2sf) =	vpush v10, $0xF;
	_ =	sdelay $0x2  }
0x132: {  	s23 =	sadd.s32 $0x40, s18;
	v8 =	vld [tilespmem:s18+$0x10];
	v4 =	vadd.f32 v4, v5  }
0x133: {  	v5 =	vld [tilespmem:s23+$0xFFFFFFE0];
	vm15 =	vne.f32 v6, v6  }
0x134: {  	v6 =	vld [tilespmem:s23+$0xFFFFFFF0];
	v9 =	vadd.f32 v9, v4;
	v4 =	vsel vm15, $0x1, v1  }
0x135: {  	(xrf0) =	vadd.scan.msk.s32 $0xffff, v4  }
0x136: {  	s22 =	simm.s32 $0x1;
	s21 =	simm.s32 $0x2;
	v7 =	vld [tilespmem:s23+$0x0]  }
0x137: {  	s20 =	simm.s32 $0x3;
	s24 =	simm.s32 $0x6;
	s19 =	simm.s32 $0x4;
	v9 =	vadd.f32 v8, v9  }
0x138: {  	s25 =	sadd.s32 $0x40, s23;
	s18 =	simm.s32 $0x5;
	v4 =	vimm.s32 $0x0;
	v8 =	vld [tilespmem:s23+$0x10];
	s23 =	simm.s32 $0x0  }
.LBB2_29:
0x139: {  	v10 =	vadd.f32 v6, v5;
	v5 =	vld [tilespmem:s25+$0xFFFFFFE0];
	vm0 =	vne.f32 v9, v9;
	s26 =	spop (v2sf);
	s28 =	smov.u32 s24;
	p0 =	sne.s32 s24, $0xF  }
.Ltmp24:
0x13a: {  	s24 =	sadd.s32 $0x1, s24;
	v6 =	vld [tilespmem:s25+$0xFFFFFFF0];
	v11 =	vsel vm0, $0x1, v1;
	p1 =	slt.s32 s26, $0x1;
	(pc) =	sbr.rel @p0 .LBB2_29-.Ltmp24, $4  }
0x13b: {  	v10 =	vadd.f32 v7, v10;
	(xrf0) =	vadd.scan.msk.s32 $0xffff, v11;
	v9, _, _ =	vpop (xrf0);
	v11 =	vmov s23;
	s26 =	simm.s32 @!p1 $0x1;
	s23 =	smov.u32 s22;
	s22 =	smov.u32 s21  }
0x13c: {  	s21 =	smov.u32 s20;
	s20 =	smov.u32 s19;
	s19 =	smov.u32 s18;
	v7 =	vld [tilespmem:s25+$0x0];
	(v2sf) =	vpush v9, $0xF;
	vm0 =	veq.s32 v11, v3;
	v11 =	vmov s26  }
0x13d: {  	s18 =	smov.u32 s28;
	v9 =	vadd.f32 v8, v10;
	v10 =	vnsel vm0, $0x0, v11  }
0x13e: {  	v8 =	vld [tilespmem:s25+$0x10];
	s25 =	sadd.s32 $0x40, s25;
	v4 =	vadd.s32 v4, v10  }
0x13f: {  	v5 =	vadd.f32 v6, v5;
	_ =	sdelay $0x1  }
0x140: {  	v5 =	vadd.f32 v7, v5;
	_ =	sdelay $0x1  }
0x141: {  	v5 =	vadd.f32 v8, v5  }
0x142: {  	vm0 =	vne.f32 v9, v9  }
0x143: {  	v57 =	vsel vm0, $0x1, v1;
	vm9 =	vne.f32 v5, v5  }
0x144: {  	(xrf0) =	vadd.scan.msk.s32 $0xffff, v57;
	v5 =	vsel vm9, $0x1, v1  }
0x145: {  	(xrf0) =	vadd.scan.msk.s32 $0xffff, v5;
	_ =	sdelay $0x2  }
0x146: {  	v5, _, _ =	vpop (xrf0)  }
0x147: {  	(v2sf) =	vpush v5, $0xF  }
0x148: {  	v5, _, _ =	vpop (xrf0)  }
0x149: {  	(v2sf) =	vpush v5, $0xF;
	v5, _, _ =	vpop (xrf0)  }
0x14a: {  	(v2sf) =	vpush v5, $0xF;
	_ =	sdelay $0x6  }
0x14b: {  	s24 =	spop (v2sf)  }
0x14c: {  	s25 =	spop (v2sf);
	p0 =	slt.s32 s24, $0x1  }
0x14d: {  	s24 =	simm.s32 @!p0 $0x1;
	p0 =	slt.s32 s25, $0x1;
	v5 =	vmov s23  }
0x14e: {  	v58 =	vmov s22;
	s25 =	simm.s32 @!p0 $0x1;
	vm10 =	veq.s32 v5, v3;
	v5 =	vmov s24  }
0x14f: {  	vm11 =	veq.s32 v58, v3;
	v59 =	vmov s25;
	s22 =	spop (v2sf);
	v5 =	vnsel vm10, $0x0, v5  }
0x150: {  	p0 =	slt.s32 s22, $0x1;
	v4 =	vadd.s32 v4, v5;
	v5 =	vnsel vm11, $0x0, v59;
	s23 =	spop (v2sf)  }
0x151: {  	s22 =	simm.s32 @!p0 $0x1;
	v4 =	vadd.s32 v4, v5;
	v5 =	vmov s21;
	p0 =	slt.s32 s23, $0x1  }
0x152: {  	v60 =	vmov s20;
	vm12 =	veq.s32 v5, v3;
	v5 =	vmov s22;
	s20 =	spop (v2sf);
	s23 =	simm.s32 @!p0 $0x1  }
0x153: {  	s31 =	sshll.u32 s16, $0x4;
	vm13 =	veq.s32 v60, v3;
	v5 =	vnsel vm12, $0x0, v5;
	p0 =	slt.s32 s20, $0x1;
	v61 =	vmov s23;
	s21 =	spop (v2sf)  }
0x154: {  	s16 =	sadd.s32 $0x1, s16;
	v4 =	vadd.s32 v4, v5;
	s20 =	simm.s32 @!p0 $0x1;
	v5 =	vnsel vm13, $0x0, v61;
	p0 =	slt.s32 s21, $0x1  }
0x155: {  	v4 =	vadd.s32 v4, v5;
	v5 =	vmov s19;
	s21 =	simm.s32 @!p0 $0x1;
	p0 =	sne.s32 s16, $0x10  }
.Ltmp25:
0x156: {  	v62 =	vmov s18;
	vm14 =	veq.s32 v5, v3;
	v5 =	vmov s20;
	(pc) =	sbr.rel @p0 .LBB2_28-.Ltmp25, $4  }
0x157: {  	vm15 =	veq.s32 v62, v3;
	v5 =	vnsel vm14, $0x0, v5;
	v63 =	vmov s21  }
0x158: {  	v4 =	vadd.s32 v4, v5;
	v5 =	vnsel vm15, $0x0, v63  }
0x159: {  	s18 =	sand.u32 $0x3FFFFFF0, s31;
	v4 =	vadd.s32 v4, v5  }
0x15a: {  	s17 =	sadd.s32 $0x400, s17;
	[tilespmem:s18+$0x4000] =	vst v4;
	v2 =	vadd.s32 v2, v4  }
0x15b: {  	(xrf0) =	vadd.scan.msk.s32 $0xffff, v2;
	_ =	sdelay $0x5  }
0x15c: {  	v1, _, _ =	vpop (xrf0)  }
0x15d: {  	(v2sf) =	vpush v1, $0xF;
	_ =	sdelay $0xe  }
0x15e: {  	s16 =	spop (v2sf)  }
0x15f: {  	s16 =	ssub.s32 $0x100, s16  }
0x160: {  	v1 =	vmov s16  }
0x161: {  	s30 =	simm.s32 $0x4100;
	s31 =	simm.s32 $0x2;
	[tilespmem:$0x4100] =	vst v1  }
0x162: {  	[spmem:s15] =	stream.linear.scatter [tilespmem:s30], [sflag:$0x2], $0x10, $0x38;
	[tilespmem:$0x4260] =	vst v63  }
0x163: {  	_ =	swait.ge [sflag:s31], $0x10  }
0x164: {  	[sflag:s31] =	ssyncset.done $0x0  }
0x165: {  	[sflag:s31] =	ssyncadd.s32 $0xFFFFFFF0  }
0x166: {  	s15 =	simm.s32 $0x4120;
	[bflag:$0x0] =	sbarrier.arrive $0xFFFF  }
0x167: {  	[tilespmem:s15], [sflag:$0x2] =	stream.linear.gather [spmem:s14], $0x100, $0x38;
	[tilespmem:$0x4260] =	vst v63  }
0x168: {  	_ =	swait.ge [sflag:s31], $0x100  }
0x169: {  	[sflag:s31] =	ssyncset.done $0x0  }
0x16a: {  	p0 =	seq.s32 s1, $0x0;
	v1 =	vimm.s32 $0x0;
	[sflag:s31] =	ssyncadd.s32 $0xFFFFFF00  }
0x16b: {  	v7 =	vpsel p0, v1, v1;
	s14 =	simm.s32 $0x1;
	v2 =	vld [tilespmem:s15+$0x0]  }
.LBB2_32:
0x16c: {  	_ =	sdelay $0x3  }
0x16d: {  	p0 =	seq.s32 s1, s14;
	v1 =	vadd.s32 v1, v2  }
0x16e: {  	v7 =	vpsel p0, v1, v7;
	p0 =	sne.s32 s14, $0xF  }
.Ltmp26:
0x16f: {  	_ = 	snop;
	(pc) =	sbr.rel @p0 .LBB2_32-.Ltmp26, $3  }
0x170: {  	_ =	sdelay $0x1  }
0x171: {  	s15 =	sadd.s32 $0x10, s15  }
0x172: {  	v2 =	vld [tilespmem:s15+$0x0];
	s14 =	sadd.s32 $0x1, s14  }
0x173: {  	s14 =	simm.s32 $0x4000  }
0x174: {  	v3 =	vld [tilespmem:s14+$0x0];
	_ =	sdelay $0x4  }
0x175: {  	v4 =	vsub.s32 $0x1, v3  }
0x176: {  	(xrf0) =	vadd.scan.msk.s32 $0xffff, v4  }
0x177: {  	s15 =	simm.s32 $0x4010  }
0x178: {  	v6 =	vld [tilespmem:s15+$0x0];
	_ =	sdelay $0x2  }
0x179: {  	v0 =	vsub.s32 v0, v7;
	v9 =	vimm.s32 $0x1;
	v1 =	vadd.s32 v1, v2  }
0x17a: {  	v8 =	vadd.s32 v1, v0;
	v1 =	vimm.s32 $0x0;
	vm0 =	veq.s32 v9, v3;
	v2, _, _ =	vpop (xrf0)  }
0x17b: {  	s31 =	simm.s32 $0x0;
	v10 =	vsub.s32 $0x1, v6;
	vm15 =	veq.s32 v3, $0x0;
	v0 =	vsub.s32 v2, v4  }
0x17c: {  	v2 =	vadd.s32 s31, v8;
	v4 =	vlaneseq.u32;
	v0 =	vadd.s32 v1, v0  }
0x17d: {  	s14 =	simm.s32 $0x10;
	v14 =	vadd.s32 $0x1, v4;
	v2 =	vsub.s32 v2, v0;
	v0 =	vadd.s32 v7, v0  }
0x17e: {  	v20 =	vadd.s32 s14, v8;
	v5 =	vadd.s32 s31, v14;
	v2 =	vsel vm0, v2, v0  }
0x17f: {  	vm0 =	veq.s32 v2, $0x0;
	vm1 =	veq.s32 v2, $0xE61;
	vm2 =	veq.s32 v2, $0x199  }
0x180: {  	vm3 =	veq.s32 v2, $0x332;
	vm13 =	veq.s32 v2, $0x4CB;
	vm4 =	veq.s32 v2, $0x664  }
0x181: {  	(xrf0) =	vadd.scan.msk.s32 $0xffff, v10;
	vm5 =	veq.s32 v2, $0x7FD;
	vm6 =	veq.s32 v2, $0x996;
	vm14 =	veq.s32 v2, $0xB2F  }
0x182: {  	vm7 =	veq.s32 v2, $0xCC8;
	v0 =	vnsel vm1, $0x0, v5;
	v11 =	vnsel vm0, $0x0, v5  }
0x183: {  	v2 =	vnsel vm2, $0x0, v5;
	v12 =	vnsel vm3, $0x0, v5;
	v17 =	vnsel vm13, $0x0, v5  }
0x184: {  	v18 =	vnsel vm4, $0x0, v5;
	v19 =	vnsel vm5, $0x0, v5;
	v21 =	vnsel vm6, $0x0, v5  }
0x185: {  	v4 =	vnsel vm14, $0x0, v5;
	v3 =	vnsel vm7, $0x0, v5;
	v5 =	vmpcnt.ones.xlane vm15  }
0x186: {  	v0 =	vadd.s32 v1, v0;
	v16 =	vadd.s32 v1, v11;
	v15 =	vadd.s32 v1, v2  }
0x187: {  	v13 =	vadd.s32 v1, v12;
	v12 =	vadd.s32 v1, v17;
	v11 =	vadd.s32 v1, v18;
	v2, _, _ =	vpop (xrf0)  }
0x188: {  	s16 =	simm.s32 $0x4020;
	v17 =	vadd.s32 v1, v5;
	v5 =	vadd.s32 v1, v21;
	v2 =	vsub.s32 v2, v10  }
0x189: {  	s17 =	simm.s32 $0x30;
	s15 =	simm.s32 $0x20;
	v18 =	vld [tilespmem:s16+$0x0];
	v10 =	vadd.s32 v1, v19;
	v19 =	vadd.s32 v17, v2;
	v2 =	vimm.s32 $0x0  }
.LBB2_34:
0x18a: {  	p0 =	sne.s32 s17, $0xF0;
	vm0 =	veq.s32 v9, v6;
	v20 =	vsub.s32 v20, v19;
	v19 =	vadd.s32 v7, v19  }
0x18b: {  	v1 =	vadd.s32 v1, v4;
	v2 =	vadd.s32 v2, v3;
	v19 =	vsel vm0, v20, v19  }
0x18c: {  	v3 =	vadd.s32 s14, v14;
	s14 =	smov.u32 s15;
	s15 =	smov.u32 s17;
	vm0 =	veq.s32 v19, $0x0;
	vm1 =	veq.s32 v19, $0xE61  }
0x18d: {  	vm2 =	veq.s32 v19, $0x199;
	vm3 =	veq.s32 v19, $0x332;
	v4 =	vnsel vm1, $0x0, v3  }
0x18e: {  	vm1 =	veq.s32 v19, $0x4CB;
	v20 =	vsub.s32 $0x1, v18;
	v0 =	vadd.s32 v0, v4  }
0x18f: {  	vm4 =	veq.s32 v19, $0x664;
	vm5 =	veq.s32 v19, $0x7FD;
	vm6 =	veq.s32 v19, $0x996;
	(xrf0) =	vadd.scan.msk.s32 $0xffff, v20  }
0x190: {  	vm7 =	veq.s32 v19, $0xCC8;
	v21 =	vnsel vm0, $0x0, v3;
	vm0 =	veq.s32 v19, $0xB2F  }
0x191: {  	v19 =	vnsel vm2, $0x0, v3;
	v22 =	vnsel vm3, $0x0, v3;
	v23 =	vnsel vm1, $0x0, v3  }
0x192: {  	v24 =	vnsel vm4, $0x0, v3;
	v25 =	vnsel vm5, $0x0, v3;
	v26 =	vnsel vm6, $0x0, v3  }
.Ltmp27:
0x193: {  	v4 =	vnsel vm0, $0x0, v3;
	v3 =	vnsel vm7, $0x0, v3;
	vm0 =	veq.s32 v6, $0x0;
	v6 =	vmovc v18;
	(pc) =	sbr.rel @p0 .LBB2_34-.Ltmp27, $4  }
0x194: {  	v16 =	vadd.s32 v16, v21;
	v15 =	vadd.s32 v15, v19;
	v18 =	vmpcnt.ones.xlane vm0  }
0x195: {  	v13 =	vadd.s32 v13, v22;
	v11 =	vadd.s32 v11, v24;
	v12 =	vadd.s32 v12, v23;
	v19, _, _ =	vpop (xrf0)  }
0x196: {  	s16 =	sadd.s32 $0x10, s16;
	v10 =	vadd.s32 v10, v25;
	v17 =	vadd.s32 v17, v18;
	v19 =	vsub.s32 v19, v20  }
0x197: {  	s17 =	sadd.s32 $0x10, s17;
	v5 =	vadd.s32 v5, v26;
	v20 =	vadd.s32 s14, v8;
	v18 =	vld [tilespmem:s16+$0x0];
	v19 =	vadd.s32 v17, v19  }
0x198: {  	_ =	sdelay $0x3  }
0x199: {  	v21 =	vsub.s32 $0x1, v18  }
0x19a: {  	(xrf0) =	vadd.scan.msk.s32 $0xffff, v21;
	_ =	sdelay $0x3  }
0x19b: {  	vm0 =	veq.s32 v6, $0x0  }
0x19c: {  	v22 =	vmpcnt.ones.xlane vm0  }
0x19d: {  	vm8 =	veq.s32 v9, v6;
	v36 =	vsub.s32 v20, v19;
	v37, _, _ =	vpop (xrf0)  }
0x19e: {  	v38 =	vadd.s32 v7, v19;
	v17 =	vadd.s32 v17, v22;
	v20 =	vsub.s32 v37, v21  }
0x19f: {  	v8 =	vadd.s32 s15, v8;
	v6 =	vsel vm8, v36, v38;
	v17 =	vadd.s32 v17, v20  }
0x1a0: {  	vm9 =	veq.s32 v9, v18;
	v8 =	vsub.s32 v8, v17;
	v39 =	vadd.s32 v7, v17  }
0x1a1: {  	v40 =	vadd.s32 s14, v14;
	vm1 =	veq.s32 v6, $0x0;
	v7 =	vsel vm9, v8, v39  }
0x1a2: {  	v42 =	vadd.s32 s15, v14;
	v41 =	vnsel vm1, $0x0, v40;
	vm0 =	veq.s32 v7, $0x0  }
0x1a3: {  	v43 =	vadd.s32 v16, v41;
	v44 =	vnsel vm0, $0x0, v42  }
0x1a4: {  	v14 =	vadd.s32 v43, v44  }
0x1a5: {  	(xrf0) =	vadd.scan.msk.s32 $0xffff, v14;
	_ =	sdelay $0x5  }
0x1a6: {  	v14, _, _ =	vpop (xrf0)  }
0x1a7: {  	(v2sf) =	vpush v14, $0xF;
	_ =	sdelay $0xe  }
0x1a8: {  	s14 =	spop (v2sf)  }
0x1a9: {  	p1 =	slt.s32 s14, $0x1  }
0x1aa: {  	s14 =	sadd.s32 @!p1 s3, s14  }
0x1ab: {  	s14 =	sshll.u32 @!p1 s14, $0x6  }
0x1ac: {  	s14 =	sadd.s32 @!p1 $0xFFFFFFC0, s14  }
0x1ad: {  	s14 =	sshrl.u32 @!p1 s14, $0x3  }
0x1ae: {  	s15 =	simm.s32 @!p1 $0x0;
	s16 =	simm.s32 @!p1 $0x4220;
	s14 =	sadd.s32 @!p1 s2, s14  }
0x1af: {  	[tilespmem:s16], [sflag:$0x2] =	stream.linear.gather @!p1 [hbm4b:s14+s15], $0x40, $0x38;
	[tilespmem:$0x4260] =	vst v63  }
0x1b0: {  	s14 =	simm.s32 @!p1 $0x2  }
0x1b1: {  	_ =	swait.ge @!p1 [sflag:s14], $0x40  }
0x1b2: {  	vm10 =	veq.s32 v6, $0x199;
	[sflag:s14] =	ssyncset.done @!p1 $0x0  }
0x1b3: {  	v45 =	vnsel vm10, $0x0, v40;
	vm11 =	veq.s32 v7, $0x199;
	[sflag:s14] =	ssyncadd.s32 @!p1 $0xFFFFFFC0  }
0x1b4: {  	v46 =	vnsel vm11, $0x0, v42;
	v14 =	vadd.s32 v15, v45;
	[hbm4b:s13+s15] =	stream.linear.scatter @!p1 [tilespmem:s16], [sflag:$0x2], $0x40, $0x38;
	[tilespmem:$0x4260] =	vst v63  }
0x1b5: {  	v14 =	vadd.s32 v14, v46;
	_ =	swait.ge @!p1 [sflag:s14], $0x40  }
0x1b6: {  	(xrf0) =	vadd.scan.msk.s32 $0xffff, v14;
	_ =	sdelay $0x5  }
0x1b7: {  	v14, _, _ =	vpop (xrf0)  }
0x1b8: {  	(v2sf) =	vpush v14, $0xF;
	_ =	sdelay $0xe  }
0x1b9: {  	s13 =	spop (v2sf)  }
0x1ba: {  	p0 =	slt.s32 s13, $0x1  }
0x1bb: {  	s13 =	sadd.s32 @!p0 s3, s13  }
0x1bc: {  	s13 =	sshll.u32 @!p0 s13, $0x6  }
0x1bd: {  	[sflag:s14] =	ssyncset.done @!p1 $0x0;
	s13 =	sadd.s32 @!p0 $0xFFFFFFC0, s13  }
0x1be: {  	[sflag:s14] =	ssyncadd.s32 @!p1 $0xFFFFFFC0;
	s13 =	sshrl.u32 @!p0 s13, $0x3  }
0x1bf: {  	s14 =	simm.s32 @!p0 $0x0;
	s15 =	simm.s32 @!p0 $0x4220;
	s13 =	sadd.s32 @!p0 s2, s13  }
0x1c0: {  	[tilespmem:s15], [sflag:$0x2] =	stream.linear.gather @!p0 [hbm4b:s13+s14], $0x40, $0x38;
	[tilespmem:$0x4260] =	vst v63  }
0x1c1: {  	s13 =	simm.s32 @!p0 $0x2  }
0x1c2: {  	_ =	swait.ge @!p0 [sflag:s13], $0x40  }
0x1c3: {  	vm12 =	veq.s32 v6, $0x332;
	[sflag:s13] =	ssyncset.done @!p0 $0x0  }
0x1c4: {  	v47 =	vnsel vm12, $0x0, v40;
	vm13 =	veq.s32 v7, $0x332;
	[sflag:s13] =	ssyncadd.s32 @!p0 $0xFFFFFFC0  }
0x1c5: {  	v13 =	vadd.s32 v13, v47;
	v48 =	vnsel vm13, $0x0, v42;
	[hbm4b:s12+s14] =	stream.linear.scatter @!p0 [tilespmem:s15], [sflag:$0x2], $0x40, $0x38;
	[tilespmem:$0x4260] =	vst v63  }
0x1c6: {  	v13 =	vadd.s32 v13, v48;
	_ =	swait.ge @!p0 [sflag:s13], $0x40  }
0x1c7: {  	(xrf0) =	vadd.scan.msk.s32 $0xffff, v13;
	_ =	sdelay $0x5  }
0x1c8: {  	v13, _, _ =	vpop (xrf0)  }
0x1c9: {  	(v2sf) =	vpush v13, $0xF;
	_ =	sdelay $0xe  }
0x1ca: {  	s12 =	spop (v2sf)  }
0x1cb: {  	p1 =	slt.s32 s12, $0x1  }
0x1cc: {  	s12 =	sadd.s32 @!p1 s3, s12  }
0x1cd: {  	s12 =	sshll.u32 @!p1 s12, $0x6  }
0x1ce: {  	[sflag:s13] =	ssyncset.done @!p0 $0x0;
	s12 =	sadd.s32 @!p1 $0xFFFFFFC0, s12  }
0x1cf: {  	[sflag:s13] =	ssyncadd.s32 @!p0 $0xFFFFFFC0;
	s12 =	sshrl.u32 @!p1 s12, $0x3  }
0x1d0: {  	s13 =	simm.s32 @!p1 $0x0;
	s14 =	simm.s32 @!p1 $0x4220;
	s12 =	sadd.s32 @!p1 s2, s12  }
0x1d1: {  	[tilespmem:s14], [sflag:$0x2] =	stream.linear.gather @!p1 [hbm4b:s12+s13], $0x40, $0x38;
	[tilespmem:$0x4260] =	vst v63  }
0x1d2: {  	s12 =	simm.s32 @!p1 $0x2  }
0x1d3: {  	_ =	swait.ge @!p1 [sflag:s12], $0x40  }
0x1d4: {  	vm14 =	veq.s32 v6, $0x4CB;
	[sflag:s12] =	ssyncset.done @!p1 $0x0  }
0x1d5: {  	v49 =	vnsel vm14, $0x0, v40;
	vm15 =	veq.s32 v7, $0x4CB;
	[sflag:s12] =	ssyncadd.s32 @!p1 $0xFFFFFFC0  }
0x1d6: {  	v12 =	vadd.s32 v12, v49;
	v50 =	vnsel vm15, $0x0, v42;
	[hbm4b:s11+s13] =	stream.linear.scatter @!p1 [tilespmem:s14], [sflag:$0x2], $0x40, $0x38;
	[tilespmem:$0x4260] =	vst v63  }
0x1d7: {  	v12 =	vadd.s32 v12, v50;
	_ =	swait.ge @!p1 [sflag:s12], $0x40  }
0x1d8: {  	(xrf0) =	vadd.scan.msk.s32 $0xffff, v12;
	_ =	sdelay $0x5  }
0x1d9: {  	v12, _, _ =	vpop (xrf0)  }
0x1da: {  	(v2sf) =	vpush v12, $0xF;
	_ =	sdelay $0xe  }
0x1db: {  	s11 =	spop (v2sf)  }
0x1dc: {  	p0 =	slt.s32 s11, $0x1  }
0x1dd: {  	s11 =	sadd.s32 @!p0 s3, s11  }
0x1de: {  	s11 =	sshll.u32 @!p0 s11, $0x6  }
0x1df: {  	[sflag:s12] =	ssyncset.done @!p1 $0x0;
	s11 =	sadd.s32 @!p0 $0xFFFFFFC0, s11  }
0x1e0: {  	[sflag:s12] =	ssyncadd.s32 @!p1 $0xFFFFFFC0;
	s11 =	sshrl.u32 @!p0 s11, $0x3  }
0x1e1: {  	s12 =	simm.s32 @!p0 $0x0;
	s13 =	simm.s32 @!p0 $0x4220;
	s11 =	sadd.s32 @!p0 s2, s11  }
0x1e2: {  	[tilespmem:s13], [sflag:$0x2] =	stream.linear.gather @!p0 [hbm4b:s11+s12], $0x40, $0x38;
	[tilespmem:$0x4260] =	vst v63  }
0x1e3: {  	s11 =	simm.s32 @!p0 $0x2  }
0x1e4: {  	_ =	swait.ge @!p0 [sflag:s11], $0x40  }
0x1e5: {  	vm4 =	veq.s32 v6, $0x664;
	[sflag:s11] =	ssyncset.done @!p0 $0x0  }
0x1e6: {  	v51 =	vnsel vm4, $0x0, v40;
	vm5 =	veq.s32 v7, $0x664;
	[sflag:s11] =	ssyncadd.s32 @!p0 $0xFFFFFFC0  }
0x1e7: {  	v11 =	vadd.s32 v11, v51;
	v52 =	vnsel vm5, $0x0, v42;
	[hbm4b:s10+s12] =	stream.linear.scatter @!p0 [tilespmem:s13], [sflag:$0x2], $0x40, $0x38;
	[tilespmem:$0x4260] =	vst v63  }
0x1e8: {  	v11 =	vadd.s32 v11, v52;
	_ =	swait.ge @!p0 [sflag:s11], $0x40  }
0x1e9: {  	(xrf0) =	vadd.scan.msk.s32 $0xffff, v11;
	_ =	sdelay $0x5  }
0x1ea: {  	v11, _, _ =	vpop (xrf0)  }
0x1eb: {  	(v2sf) =	vpush v11, $0xF;
	_ =	sdelay $0xe  }
0x1ec: {  	s10 =	spop (v2sf)  }
0x1ed: {  	p1 =	slt.s32 s10, $0x1  }
0x1ee: {  	s10 =	sadd.s32 @!p1 s3, s10  }
0x1ef: {  	s10 =	sshll.u32 @!p1 s10, $0x6  }
0x1f0: {  	[sflag:s11] =	ssyncset.done @!p0 $0x0;
	s10 =	sadd.s32 @!p1 $0xFFFFFFC0, s10  }
0x1f1: {  	[sflag:s11] =	ssyncadd.s32 @!p0 $0xFFFFFFC0;
	s10 =	sshrl.u32 @!p1 s10, $0x3  }
0x1f2: {  	s11 =	simm.s32 @!p1 $0x0;
	s12 =	simm.s32 @!p1 $0x4220;
	s10 =	sadd.s32 @!p1 s2, s10  }
0x1f3: {  	[tilespmem:s12], [sflag:$0x2] =	stream.linear.gather @!p1 [hbm4b:s10+s11], $0x40, $0x38;
	[tilespmem:$0x4260] =	vst v63  }
0x1f4: {  	s10 =	simm.s32 @!p1 $0x2  }
0x1f5: {  	_ =	swait.ge @!p1 [sflag:s10], $0x40  }
0x1f6: {  	vm6 =	veq.s32 v6, $0x7FD;
	[sflag:s10] =	ssyncset.done @!p1 $0x0  }
0x1f7: {  	v53 =	vnsel vm6, $0x0, v40;
	vm7 =	veq.s32 v7, $0x7FD;
	[sflag:s10] =	ssyncadd.s32 @!p1 $0xFFFFFFC0  }
0x1f8: {  	v10 =	vadd.s32 v10, v53;
	v54 =	vnsel vm7, $0x0, v42;
	[hbm4b:s9+s11] =	stream.linear.scatter @!p1 [tilespmem:s12], [sflag:$0x2], $0x40, $0x38;
	[tilespmem:$0x4260] =	vst v63  }
0x1f9: {  	v10 =	vadd.s32 v10, v54;
	_ =	swait.ge @!p1 [sflag:s10], $0x40  }
0x1fa: {  	(xrf0) =	vadd.scan.msk.s32 $0xffff, v10;
	_ =	sdelay $0x5  }
0x1fb: {  	v10, _, _ =	vpop (xrf0)  }
0x1fc: {  	(v2sf) =	vpush v10, $0xF;
	_ =	sdelay $0xe  }
0x1fd: {  	s9 =	spop (v2sf)  }
0x1fe: {  	p2 =	slt.s32 s9, $0x1  }
0x1ff: {  	s9 =	sadd.s32 @!p2 s3, s9  }
0x200: {  	s9 =	sshll.u32 @!p2 s9, $0x6  }
0x201: {  	[sflag:s10] =	ssyncset.done @!p1 $0x0;
	s9 =	sadd.s32 @!p2 $0xFFFFFFC0, s9  }
0x202: {  	[sflag:s10] =	ssyncadd.s32 @!p1 $0xFFFFFFC0;
	s9 =	sshrl.u32 @!p2 s9, $0x3  }
0x203: {  	s10 =	simm.s32 @!p2 $0x0;
	s11 =	simm.s32 @!p2 $0x4220;
	s9 =	sadd.s32 @!p2 s2, s9  }
0x204: {  	[tilespmem:s11], [sflag:$0x2] =	stream.linear.gather @!p2 [hbm4b:s9+s10], $0x40, $0x38;
	[tilespmem:$0x4260] =	vst v63  }
0x205: {  	s9 =	simm.s32 @!p2 $0x2  }
0x206: {  	_ =	swait.ge @!p2 [sflag:s9], $0x40  }
0x207: {  	vm8 =	veq.s32 v6, $0x996;
	[sflag:s9] =	ssyncset.done @!p2 $0x0  }
0x208: {  	v55 =	vnsel vm8, $0x0, v40;
	vm9 =	veq.s32 v7, $0x996;
	[sflag:s9] =	ssyncadd.s32 @!p2 $0xFFFFFFC0  }
0x209: {  	v5 =	vadd.s32 v5, v55;
	v56 =	vnsel vm9, $0x0, v42;
	[hbm4b:s8+s10] =	stream.linear.scatter @!p2 [tilespmem:s11], [sflag:$0x2], $0x40, $0x38;
	[tilespmem:$0x4260] =	vst v63  }
0x20a: {  	v5 =	vadd.s32 v5, v56;
	_ =	swait.ge @!p2 [sflag:s9], $0x40  }
0x20b: {  	(xrf0) =	vadd.scan.msk.s32 $0xffff, v5;
	_ =	sdelay $0x5  }
0x20c: {  	v5, _, _ =	vpop (xrf0)  }
0x20d: {  	(v2sf) =	vpush v5, $0xF;
	_ =	sdelay $0xe  }
0x20e: {  	s8 =	spop (v2sf)  }
0x20f: {  	p0 =	slt.s32 s8, $0x1  }
0x210: {  	s8 =	sadd.s32 @!p0 s3, s8  }
0x211: {  	s8 =	sshll.u32 @!p0 s8, $0x6  }
0x212: {  	[sflag:s9] =	ssyncset.done @!p2 $0x0;
	s8 =	sadd.s32 @!p0 $0xFFFFFFC0, s8  }
0x213: {  	[sflag:s9] =	ssyncadd.s32 @!p2 $0xFFFFFFC0;
	s8 =	sshrl.u32 @!p0 s8, $0x3  }
0x214: {  	s9 =	simm.s32 @!p0 $0x0;
	s10 =	simm.s32 @!p0 $0x4220;
	s8 =	sadd.s32 @!p0 s2, s8  }
0x215: {  	[tilespmem:s10], [sflag:$0x2] =	stream.linear.gather @!p0 [hbm4b:s8+s9], $0x40, $0x38;
	[tilespmem:$0x4260] =	vst v63  }
0x216: {  	s8 =	simm.s32 @!p0 $0x2  }
0x217: {  	_ =	swait.ge @!p0 [sflag:s8], $0x40  }
0x218: {  	vm10 =	veq.s32 v6, $0xB2F;
	[sflag:s8] =	ssyncset.done @!p0 $0x0  }
0x219: {  	v1 =	vadd.s32 v1, v4;
	v57 =	vnsel vm10, $0x0, v40;
	vm11 =	veq.s32 v7, $0xB2F;
	[sflag:s8] =	ssyncadd.s32 @!p0 $0xFFFFFFC0  }
0x21a: {  	v1 =	vadd.s32 v1, v57;
	v58 =	vnsel vm11, $0x0, v42;
	[hbm4b:s7+s9] =	stream.linear.scatter @!p0 [tilespmem:s10], [sflag:$0x2], $0x40, $0x38;
	[tilespmem:$0x4260] =	vst v63  }
0x21b: {  	v1 =	vadd.s32 v1, v58;
	_ =	swait.ge @!p0 [sflag:s8], $0x40  }
0x21c: {  	(xrf0) =	vadd.scan.msk.s32 $0xffff, v1;
	_ =	sdelay $0x5  }
0x21d: {  	v1, _, _ =	vpop (xrf0)  }
0x21e: {  	(v2sf) =	vpush v1, $0xF;
	_ =	sdelay $0xe  }
0x21f: {  	s7 =	spop (v2sf)  }
0x220: {  	p1 =	slt.s32 s7, $0x1  }
0x221: {  	s7 =	sadd.s32 @!p1 s3, s7  }
0x222: {  	s7 =	sshll.u32 @!p1 s7, $0x6  }
0x223: {  	[sflag:s8] =	ssyncset.done @!p0 $0x0;
	s7 =	sadd.s32 @!p1 $0xFFFFFFC0, s7  }
0x224: {  	[sflag:s8] =	ssyncadd.s32 @!p0 $0xFFFFFFC0;
	s7 =	sshrl.u32 @!p1 s7, $0x3  }
0x225: {  	s8 =	simm.s32 @!p1 $0x0;
	s9 =	simm.s32 @!p1 $0x4220;
	s7 =	sadd.s32 @!p1 s2, s7  }
0x226: {  	[tilespmem:s9], [sflag:$0x2] =	stream.linear.gather @!p1 [hbm4b:s7+s8], $0x40, $0x38;
	[tilespmem:$0x4260] =	vst v63  }
0x227: {  	s7 =	simm.s32 @!p1 $0x2  }
0x228: {  	_ =	swait.ge @!p1 [sflag:s7], $0x40  }
0x229: {  	vm12 =	veq.s32 v6, $0xCC8;
	[sflag:s7] =	ssyncset.done @!p1 $0x0  }
0x22a: {  	v59 =	vadd.s32 v2, v3;
	v60 =	vnsel vm12, $0x0, v40;
	vm13 =	veq.s32 v7, $0xCC8;
	[sflag:s7] =	ssyncadd.s32 @!p1 $0xFFFFFFC0  }
0x22b: {  	v61 =	vnsel vm13, $0x0, v42;
	v1 =	vadd.s32 v59, v60;
	[hbm4b:s6+s8] =	stream.linear.scatter @!p1 [tilespmem:s9], [sflag:$0x2], $0x40, $0x38;
	[tilespmem:$0x4260] =	vst v63  }
0x22c: {  	v1 =	vadd.s32 v1, v61;
	_ =	swait.ge @!p1 [sflag:s7], $0x40  }
0x22d: {  	(xrf0) =	vadd.scan.msk.s32 $0xffff, v1;
	_ =	sdelay $0x5  }
0x22e: {  	v1, _, _ =	vpop (xrf0)  }
0x22f: {  	(v2sf) =	vpush v1, $0xF;
	_ =	sdelay $0xe  }
0x230: {  	s6 =	spop (v2sf)  }
0x231: {  	p0 =	slt.s32 s6, $0x1  }
0x232: {  	s6 =	sadd.s32 @!p0 s3, s6  }
0x233: {  	s6 =	sshll.u32 @!p0 s6, $0x6  }
0x234: {  	[sflag:s7] =	ssyncset.done @!p1 $0x0;
	s6 =	sadd.s32 @!p0 $0xFFFFFFC0, s6  }
0x235: {  	[sflag:s7] =	ssyncadd.s32 @!p1 $0xFFFFFFC0;
	s6 =	sshrl.u32 @!p0 s6, $0x3  }
0x236: {  	s7 =	simm.s32 @!p0 $0x0;
	s8 =	simm.s32 @!p0 $0x4220;
	s6 =	sadd.s32 @!p0 s2, s6  }
0x237: {  	[tilespmem:s8], [sflag:$0x2] =	stream.linear.gather @!p0 [hbm4b:s6+s7], $0x40, $0x38;
	[tilespmem:$0x4260] =	vst v63  }
0x238: {  	s6 =	simm.s32 @!p0 $0x2  }
0x239: {  	_ =	swait.ge @!p0 [sflag:s6], $0x40  }
0x23a: {  	vm14 =	veq.s32 v6, $0xE61;
	[sflag:s6] =	ssyncset.done @!p0 $0x0  }
0x23b: {  	v62 =	vnsel vm14, $0x0, v40;
	vm15 =	veq.s32 v7, $0xE61;
	[sflag:s6] =	ssyncadd.s32 @!p0 $0xFFFFFFC0  }
0x23c: {  	v0 =	vadd.s32 v0, v62;
	v63 =	vnsel vm15, $0x0, v42;
	[hbm4b:s5+s7] =	stream.linear.scatter @!p0 [tilespmem:s8], [sflag:$0x2], $0x40, $0x38;
	[tilespmem:$0x4260] =	vst v63  }
0x23d: {  	v0 =	vadd.s32 v0, v63;
	_ =	swait.ge @!p0 [sflag:s6], $0x40  }
0x23e: {  	(xrf0) =	vadd.scan.msk.s32 $0xffff, v0;
	_ =	sdelay $0x5  }
0x23f: {  	v0, _, _ =	vpop (xrf0)  }
0x240: {  	(v2sf) =	vpush v0, $0xF;
	_ =	sdelay $0xe  }
0x241: {  	s5 =	spop (v2sf)  }
0x242: {  	p1 =	slt.s32 s5, $0x1  }
0x243: {  	s3 =	sadd.s32 @!p1 s3, s5  }
0x244: {  	s3 =	sshll.u32 @!p1 s3, $0x6  }
0x245: {  	[sflag:s6] =	ssyncset.done @!p0 $0x0;
	s3 =	sadd.s32 @!p1 $0xFFFFFFC0, s3  }
0x246: {  	[sflag:s6] =	ssyncadd.s32 @!p0 $0xFFFFFFC0;
	s3 =	sshrl.u32 @!p1 s3, $0x3  }
0x247: {  	s5 =	simm.s32 @!p1 $0x4220;
	s2 =	sadd.s32 @!p1 s2, s3;
	s3 =	simm.s32 @!p1 $0x0  }
0x248: {  	[tilespmem:s5], [sflag:$0x2] =	stream.linear.gather @!p1 [hbm4b:s2+s3], $0x40, $0x38;
	[tilespmem:$0x4260] =	vst v63  }
0x249: {  	s2 =	simm.s32 @!p1 $0x2  }
0x24a: {  	_ =	swait.ge @!p1 [sflag:s2], $0x40  }
0x24b: {  	[sflag:s2] =	ssyncset.done @!p1 $0x0  }
0x24c: {  	[sflag:s2] =	ssyncadd.s32 @!p1 $0xFFFFFFC0  }
0x24d: {  	[hbm4b:s4+s3] =	stream.linear.scatter @!p1 [tilespmem:s5], [sflag:$0x2], $0x40, $0x38;
	[tilespmem:$0x4260] =	vst v63  }
0x24e: {  	_ =	swait.ge @!p1 [sflag:s2], $0x40  }
0x24f: {  	[sflag:s2] =	ssyncset.done @!p1 $0x0  }
0x250: {  	[sflag:s2] =	ssyncadd.s32 @!p1 $0xFFFFFFC0  }
.LBB2_36:
0x251: {  	_ =	sfence.sel $0x180000  }
0x252: {  	[bflag:$0x0] =	sbarrier.arrive $0xFFFF  }
0x253: {  	p0 =	sne.s32 s1, $0x0;
	_ =	strace $0x90000047  }
0x254: {  	s0 =	sadd.s32 @!p0 $0x100000, s0;
	[bflag:$0x2] =	sbarrier.arrive $0xFFFF  }
0x255: {  	[sflag:s0] =	ssyncadd.tile.s32 @!p0 $0x1;
	_ =	shalt  }
.Lfunc_end2:
_tile_overlayer_lowered:
.L_overlay_start_2:
0x256: {  	(tag) =	ssettag $0x2  }
0x257: {  	s0 =	rddreg [dreg:$0x0];
	s2 =	stileid.u32  }
0x258: {  	s1 =	rddreg [dreg:$0x1];
	p0 =	sne.s32 s2, $0x0  }
0x259: {  	s3 =	rddreg [dreg:$0x2];
	[bflag:$0x3] =	sbarrier.arrive $0xFFFF;
	s2 =	simm.s32 @!p0 $0x1C02  }
0x25a: {  	[timem:s3], [sflag:s2] =	dma.local @!p0 [hbm:s0], s1  }
0x25b: {  	s0 =	simm.s32 @!p0 $0x2  }
0x25c: {  	_ =	swait.ge @!p0 [sflag:s0], s1  }
0x25d: {  	s1 =	ssub.s32 @!p0 $0x0, s1;
	[sflag:s0] =	ssyncset.done @!p0 $0x0  }
0x25e: {  	[sflag:s0] =	ssyncadd.s32 @!p0 s1  }
0x25f: {  	[bflag:$0x3] =	sbarrier.arrive $0xFFFF  }
0x260: {  	_ =	shalt  }

</sc_bundles>
